<compile_context>
chip_gen: v7x
topology: tpu7x:2x2x1
jax: 0.10.2.dev20260603
libtpu: 0.0.44.dev20260713+nightly
codegen_flags: <defaults>
</compile_context>

<pallas_src>
import functools

import jax
import jax.numpy as jnp
from jax import lax
from jax.experimental import pallas as pl
from jax.experimental.pallas import tpu as pltpu
from jax.experimental.pallas import tpu_sc as plsc

_EPS = 1e-5
_SLOPE = 0.01




def _mm_body(x_ref, w_ref, o_ref):
    o_ref[0] = jnp.dot(x_ref[...], w_ref[0], preferred_element_type=jnp.float32)


def _xk(x, W, tn=10000):
    n, c = x.shape
    k = W.shape[0]
    return pl.pallas_call(
        _mm_body,
        grid=(n // tn, k),
        in_specs=[
            pl.BlockSpec((tn, c), lambda i, j: (i, 0)),
            pl.BlockSpec((1, c, c), lambda i, j: (j, 0, 0)),
        ],
        out_specs=pl.BlockSpec((1, tn, c), lambda i, j: (j, i, 0)),
        out_shape=jax.ShapeDtypeStruct((k, n, c), jnp.float32),
    )(x, W)




def _fidx_body(n, k_ref, s_ref, o_ref):
    o_ref[...] = k_ref[...] * n + s_ref[...]


def _fidx(kidx, src, n):
    e = kidx.shape[0]
    k2 = kidx.reshape(e // 128, 128)
    s2 = src.reshape(e // 128, 128)
    out = pl.pallas_call(
        functools.partial(_fidx_body, n),
        out_shape=jax.ShapeDtypeStruct(k2.shape, jnp.int32),
    )(k2, s2)
    return out.reshape(e)




def _sc_conv(xk_flat, fidx3, dst3, zeros, n, c, nblk):
    nwb, blk, ch = fidx3.shape
    n_cores, n_sub = 2, 16
    rps = (n // n_sub) // 8 * 8
    tail = n - rps * n_sub
    mesh = plsc.VectorSubcoreMesh(core_axis_name="c", subcore_axis_name="s")

    @functools.partial(
        pl.kernel,
        out_type=jax.ShapeDtypeStruct((n_cores, n, c), jnp.float32),
        mesh=mesh,
        scratch_types=[
            pltpu.VMEM((blk, ch), jnp.int32),
            pltpu.VMEM((blk, ch), jnp.int32),
            pltpu.VMEM((ch, c), jnp.float32),
            pltpu.VMEM((ch, c), jnp.float32),
            pltpu.VMEM_SHARED((n, c), jnp.float32),
            pltpu.SemaphoreType.DMA,
            pltpu.SemaphoreType.DMA,
        ],
    )
    def conv(xk_hbm, fidx_hbm, dst_hbm, z_hbm, out_hbm,
             fidx_v, dst_v, rows0, rows1, accum, gsem, ssem):
        cid = lax.axis_index("c")
        sid = lax.axis_index("s")
        wid = cid * n_sub + sid
        rows = (rows0, rows1)

        r0 = sid * rps
        pltpu.sync_copy(z_hbm.at[pl.ds(r0, rps)], accum.at[pl.ds(r0, rps)])
        if tail:
            @pl.when(sid == 0)
            def _():
                pltpu.sync_copy(z_hbm.at[pl.ds(rps * n_sub, tail)],
                                accum.at[pl.ds(rps * n_sub, tail)])
        plsc.subcore_barrier()

        def g_start(i, b):
            return pltpu.async_copy(xk_hbm.at[fidx_v.at[i]], rows[b], gsem)

        def s_start(i, b):
            return pltpu.async_copy(rows[b], accum.at[dst_v.at[i]],
                                    ssem, add=True)

        @pl.loop(0, nblk)
        def _(b):
            plane = wid * nblk + b
            pltpu.sync_copy(fidx_hbm.at[plane], fidx_v)
            pltpu.sync_copy(dst_hbm.at[plane], dst_v)

            g_start(0, 0).wait()

            @pl.loop(0, blk // 2 - 1)
            def _(q):
                p = 2 * q
                hs0 = s_start(p, 0)
                hg0 = g_start(p + 1, 1)
                hg0.wait()
                hs0.wait()
                hs1 = s_start(p + 1, 1)
                hg1 = g_start(p + 2, 0)
                hg1.wait()
                hs1.wait()

            hs0 = s_start(blk - 2, 0)
            hg0 = g_start(blk - 1, 1)
            hg0.wait()
            hs0.wait()
            s_start(blk - 1, 1).wait()

        plsc.subcore_barrier()
        pltpu.sync_copy(accum.at[pl.ds(r0, rps)],
                        out_hbm.at[cid, pl.ds(r0, rps)])
        if tail:
            @pl.when(sid == 0)
            def _():
                pltpu.sync_copy(accum.at[pl.ds(rps * n_sub, tail)],
                                out_hbm.at[cid, pl.ds(rps * n_sub, tail)])

    return conv(xk_flat, fidx3, dst3, zeros)




def _norm_mm_body(tn, p_ref, g_ref, b_ref, w_ref, o_ref, h_ref):
    @pl.when((pl.program_id(0) == 0) & (pl.program_id(1) == 0))
    def _():
        h = p_ref[0] + p_ref[1]
        mu = jnp.mean(h, axis=0, keepdims=True)
        d = h - mu
        var = jnp.mean(d * d, axis=0, keepdims=True)
        y = d * lax.rsqrt(var + _EPS) * g_ref[...] + b_ref[...]
        h_ref[...] = jnp.where(y >= 0, y, _SLOPE * y)

    i = pl.program_id(0)
    o_ref[0] = jnp.dot(h_ref[pl.ds(i * tn, tn), :], w_ref[0],
                       preferred_element_type=jnp.float32)


def _norm_mm(p, gamma, beta, W, tn=10000):
    n, c = p.shape[1], p.shape[2]
    k = W.shape[0]
    return pl.pallas_call(
        functools.partial(_norm_mm_body, tn),
        grid=(n // tn, k),
        in_specs=[
            pl.BlockSpec((2, n, c), lambda i, j: (0, 0, 0)),
            pl.BlockSpec((1, c), lambda i, j: (0, 0)),
            pl.BlockSpec((1, c), lambda i, j: (0, 0)),
            pl.BlockSpec((1, c, c), lambda i, j: (j, 0, 0)),
        ],
        out_specs=pl.BlockSpec((1, tn, c), lambda i, j: (j, i, 0)),
        out_shape=jax.ShapeDtypeStruct((k, n, c), jnp.float32),
        scratch_shapes=[pltpu.VMEM((n, c), jnp.float32)],
    )(p, gamma.reshape(1, c), beta.reshape(1, c), W)




def _norm2_body(p_ref, g_ref, b_ref, r_ref, o_ref):
    h = p_ref[0] + p_ref[1]
    mu = jnp.mean(h, axis=0, keepdims=True)
    d = h - mu
    var = jnp.mean(d * d, axis=0, keepdims=True)
    y = d * lax.rsqrt(var + _EPS) * g_ref[...] + b_ref[...] + r_ref[...]
    o_ref[...] = jnp.where(y >= 0, y, _SLOPE * y)


def _norm2(p, gamma, beta, resid):
    n, c = p.shape[1], p.shape[2]
    return pl.pallas_call(
        _norm2_body,
        out_shape=jax.ShapeDtypeStruct((n, c), jnp.float32),
    )(p, gamma.reshape(1, c), beta.reshape(1, c), resid)




def kernel(x, edge_index, kernel_idx, W1, gamma1, beta1, W2, gamma2, beta2):
    n, c = x.shape
    k = W1.shape[0]
    src = edge_index[0]
    dst = edge_index[1]
    e = src.shape[0]
    nw, ch, nblk = 32, 125, 2
    blk = e // (nw * ch * nblk)
    fidx3 = _fidx(kernel_idx, src, n).reshape(nw * nblk, blk, ch)
    dst3 = dst.reshape(nw * nblk, blk, ch)
    zeros = jnp.zeros((n, c), jnp.float32)

    xk1 = _xk(x, W1)
    p1 = _sc_conv(xk1.reshape(k * n, c), fidx3, dst3, zeros, n, c, nblk)
    xk2 = _norm_mm(p1, gamma1, beta1, W2)
    p2 = _sc_conv(xk2.reshape(k * n, c), fidx3, dst3, zeros, n, c, nblk)
    return _norm2(p2, gamma2, beta2, x)

# --- scband reference (transcript-rebuilt; emitter-appended) ---
"""Pipeline reference for scband-basic-block-85761906966887 (READ-ONLY COPY).

The authoritative reference and input builder live on the scoring server;
editing this copy changes nothing except your own understanding.
"""

import jax, jax.numpy as jnp
import numpy as np

N = 10000
E = 320000
C = 128
K = 27  # 3x3x3 kernel volume


def _sparse_conv(x, W, src, dst, kidx, n_out):
    # Gather-MM-scatter formulation of submanifold sparse 3D conv:
    # precompute x @ W_k for every kernel offset, then gather the
    # (offset, src) pair for each edge of the kernel map and
    # scatter-add into the destination voxel.
    xk = jnp.einsum('nc,kcd->knd', x, W)          # [K, N, Cout]
    msgs = xk[kidx, src]                           # [E, Cout] gather
    out = jnp.zeros((n_out, W.shape[-1]), x.dtype).at[dst].add(msgs)
    return out


def _instance_norm(x, gamma, beta, eps=1e-5):
    # spnn.InstanceNorm: per-channel normalization over all active voxels
    mu = jnp.mean(x, axis=0, keepdims=True)
    var = jnp.var(x, axis=0, keepdims=True)
    return (x - mu) / jnp.sqrt(var + eps) * gamma + beta


def _leaky_relu(x, slope=0.01):
    return jnp.where(x >= 0, x, slope * x)


def setup_inputs(seed: int = 0):
    key = jax.random.key(seed)
    ks = jax.random.split(key, 8)
    x = jax.random.normal(ks[0], (N, C), dtype=jnp.float32)
    edge_index = jax.random.randint(ks[1], (2, E), 0, N, dtype=jnp.int32)
    kernel_idx = jax.random.randint(ks[2], (E,), 0, K, dtype=jnp.int32)
    std = float(np.sqrt(2.0 / (K * C)))
    W1 = jax.random.normal(ks[3], (K, C, C), dtype=jnp.float32) * std
    W2 = jax.random.normal(ks[4], (K, C, C), dtype=jnp.float32) * std
    gamma1 = jnp.ones((C,), dtype=jnp.float32)
    beta1 = jnp.zeros((C,), dtype=jnp.float32)
    gamma2 = jnp.ones((C,), dtype=jnp.float32)
    beta2 = jnp.zeros((C,), dtype=jnp.float32)
    return {"x": x, "edge_index": edge_index, "kernel_idx": kernel_idx,
            "W1": W1, "gamma1": gamma1, "beta1": beta1,
            "W2": W2, "gamma2": gamma2, "beta2": beta2}


def reference(x, edge_index, kernel_idx, W1, gamma1, beta1, W2, gamma2, beta2):
    src = edge_index[0]
    dst = edge_index[1]
    residual = x
    out = _sparse_conv(x, W1, src, dst, kernel_idx, x.shape[0])
    out = _instance_norm(out, gamma1, beta1)
    out = _leaky_relu(out)
    out = _sparse_conv(out, W2, src, dst, kernel_idx, x.shape[0])
    out = _instance_norm(out, gamma2, beta2)
    out = out + residual
    out = _leaky_relu(out)
    return out

if __name__ == "__main__":
    import jax
    _d = setup_inputs()
    print(jax.jit(kernel)(*tuple(_d.values())))

</pallas_src>

<mosaic_0001>
#map = affine_map<(d0, d1) -> (0, 0)>
#map1 = affine_map<(d0, d1) -> (0, 0, 0)>
module attributes {stable_mosaic.version = 14 : i64} {
  func.func @conv(%arg0: i32, %arg1: i32, %arg2: memref<270000x128xf32, #tpu.memory_space<hbm>>, %arg3: memref<64x40x125xi32, #tpu.memory_space<hbm>>, %arg4: memref<64x40x125xi32, #tpu.memory_space<hbm>>, %arg5: memref<10000x128xf32, #tpu.memory_space<hbm>>, %arg6: memref<2x10000x128xf32, #tpu.memory_space<hbm>>, %arg7: memref<40x125xi32, #tpu.memory_space<vmem>>, %arg8: memref<40x125xi32, #tpu.memory_space<vmem>>, %arg9: memref<125x128xf32, #tpu.memory_space<vmem>>, %arg10: memref<125x128xf32, #tpu.memory_space<vmem>>, %arg11: memref<10000x128xf32, #tpu.memory_space<vmem_shared>>, %arg12: memref<!tpu.dma_semaphore, #tpu.memory_space<semaphore_mem>>, %arg13: memref<!tpu.dma_semaphore, #tpu.memory_space<semaphore_mem>>) attributes {dimension_semantics = [#tpu.dimension_semantics<core_parallel>, #tpu.dimension_semantics<subcore_parallel>], iteration_bounds = array<i64: 2, 16>, scalar_prefetch = 0 : i64, scratch_operands = 7 : i64, tpu.core_type = #tpu.core_type<sc_vector_subcore>, window_params = [{transform_indices = #map}, {transform_indices = #map1}, {transform_indices = #map1}, {transform_indices = #map}, {transform_indices = #map1}]} {
    %mul3A = arith.constant 16 : i32
    %mul3A_0 = arith.muli %arg0, %mul3A : i32
    %add3A = arith.addi %mul3A_0, %arg1 : i32
    %mul3A_1 = arith.constant 624 : i32
    %mul3A_2 = arith.muli %arg1, %mul3A_1 : i32
    "tpu.region"() ({
      %run_scoped3A = tpu.sem_alloc : memref<!tpu.dma_semaphore, #tpu.memory_space<semaphore_mem>>
      %dma_start3A = arith.constant 0 : i32
      %dma_start3A_15 = tpu.memref_slice %arg11[%mul3A_2, %dma_start3A] : memref<10000x128xf32, #tpu.memory_space<vmem_shared>> -> memref<624x128xf32, #tpu.memory_space<vmem_shared>>
      %dma_start3A_16 = arith.constant 0 : i32
      %dma_start3A_17 = tpu.memref_slice %arg5[%mul3A_2, %dma_start3A_16] : memref<10000x128xf32, #tpu.memory_space<hbm>> -> memref<624x128xf32, #tpu.memory_space<hbm>>
      tpu.enqueue_dma source(%dma_start3A_17 : memref<624x128xf32, #tpu.memory_space<hbm>>) target(%dma_start3A_15 : memref<624x128xf32, #tpu.memory_space<vmem_shared>>) target_semaphore(%run_scoped3A : memref<!tpu.dma_semaphore, #tpu.memory_space<semaphore_mem>>)
      %dma_wait3A = arith.constant 0 : i32
      %dma_wait3A_18 = tpu.memref_slice %arg11[%mul3A_2, %dma_wait3A] : memref<10000x128xf32, #tpu.memory_space<vmem_shared>> -> memref<624x128xf32, #tpu.memory_space<vmem_shared>>
      %dma_wait3A_19 = arith.constant 0 : i32
      %dma_wait3A_20 = tpu.memref_slice %arg5[%mul3A_2, %dma_wait3A_19] : memref<10000x128xf32, #tpu.memory_space<hbm>> -> memref<624x128xf32, #tpu.memory_space<hbm>>
      tpu.wait_dma2 semaphore(%run_scoped3A : memref<!tpu.dma_semaphore, #tpu.memory_space<semaphore_mem>>) src(%dma_wait3A_20 : memref<624x128xf32, #tpu.memory_space<hbm>>) dst(%dma_wait3A_18 : memref<624x128xf32, #tpu.memory_space<vmem_shared>>)
      tpu.yield
    }) : () -> ()
    %eq3A = arith.constant 0 : i32
    %eq3A_3 = arith.cmpi eq, %arg1, %eq3A : i32
    %convert_element_type3A = arith.extui %eq3A_3 : i1 to i32
    %cond3A = arith.constant 0 : i32
    %cond3A_4 = arith.cmpi ne, %convert_element_type3A, %cond3A : i32
    scf.if %cond3A_4 {
      "tpu.region"() ({
        %run_scoped3A = tpu.sem_alloc : memref<!tpu.dma_semaphore, #tpu.memory_space<semaphore_mem>>
        %dma_start3A = arith.constant 9984 : i32
        %dma_start3A_15 = arith.constant 0 : i32
        %dma_start3A_16 = tpu.memref_slice %arg11[%dma_start3A, %dma_start3A_15] : memref<10000x128xf32, #tpu.memory_space<vmem_shared>> -> memref<16x128xf32, #tpu.memory_space<vmem_shared>>
        %dma_start3A_17 = arith.constant 9984 : i32
        %dma_start3A_18 = arith.constant 0 : i32
        %dma_start3A_19 = tpu.memref_slice %arg5[%dma_start3A_17, %dma_start3A_18] : memref<10000x128xf32, #tpu.memory_space<hbm>> -> memref<16x128xf32, #tpu.memory_space<hbm>>
        tpu.enqueue_dma source(%dma_start3A_19 : memref<16x128xf32, #tpu.memory_space<hbm>>) target(%dma_start3A_16 : memref<16x128xf32, #tpu.memory_space<vmem_shared>>) target_semaphore(%run_scoped3A : memref<!tpu.dma_semaphore, #tpu.memory_space<semaphore_mem>>)
        %dma_wait3A = arith.constant 9984 : i32
        %dma_wait3A_20 = arith.constant 0 : i32
        %dma_wait3A_21 = tpu.memref_slice %arg11[%dma_wait3A, %dma_wait3A_20] : memref<10000x128xf32, #tpu.memory_space<vmem_shared>> -> memref<16x128xf32, #tpu.memory_space<vmem_shared>>
        %dma_wait3A_22 = arith.constant 9984 : i32
        %dma_wait3A_23 = arith.constant 0 : i32
        %dma_wait3A_24 = tpu.memref_slice %arg5[%dma_wait3A_22, %dma_wait3A_23] : memref<10000x128xf32, #tpu.memory_space<hbm>> -> memref<16x128xf32, #tpu.memory_space<hbm>>
        tpu.wait_dma2 semaphore(%run_scoped3A : memref<!tpu.dma_semaphore, #tpu.memory_space<semaphore_mem>>) src(%dma_wait3A_24 : memref<16x128xf32, #tpu.memory_space<hbm>>) dst(%dma_wait3A_21 : memref<16x128xf32, #tpu.memory_space<vmem_shared>>)
        tpu.yield
      }) : () -> ()
    } else {
    }
    %barrier3A = arith.constant 0 : index
    tpu.barrier barrier_id(%barrier3A)
    %scan3A = arith.constant 0 : i32
    %scan3A_5 = arith.constant 2 : i32
    %scan3A_6 = arith.addi %scan3A, %scan3A_5 : i32
    %scan3A_7 = arith.constant 1 : i32
    scf.for %scan3A_15 = %scan3A to %scan3A_6 step %scan3A_7  : i32 {
      %mul3A_16 = arith.constant 1 : i32
      %mul3A_17 = arith.muli %scan3A_15, %mul3A_16 : i32
      %add3A_18 = arith.constant 0 : i32
      %add3A_19 = arith.addi %add3A_18, %mul3A_17 : i32
      %mul3A_20 = arith.constant 2 : i32
      %mul3A_21 = arith.muli %add3A, %mul3A_20 : i32
      %add3A_22 = arith.addi %mul3A_21, %add3A_19 : i32
      "tpu.region"() ({
        %run_scoped3A = tpu.sem_alloc : memref<!tpu.dma_semaphore, #tpu.memory_space<semaphore_mem>>
        %dma_start3A_82 = arith.constant 0 : i32
        %dma_start3A_83 = arith.constant 0 : i32
        %dma_start3A_84 = tpu.memref_slice %arg3[%add3A_22, %dma_start3A_82, %dma_start3A_83] : memref<64x40x125xi32, #tpu.memory_space<hbm>> -> memref<1x40x125xi32, #tpu.memory_space<hbm>>
        %dma_start3A_85 = tpu.memref_squeeze %dma_start3A_84 : memref<1x40x125xi32, #tpu.memory_space<hbm>> -> memref<40x125xi32, #tpu.memory_space<hbm>>
        %dma_start3A_86 = arith.constant 0 : i32
        %dma_start3A_87 = arith.constant 0 : i32
        %dma_start3A_88 = tpu.memref_slice %arg3[%add3A_22, %dma_start3A_86, %dma_start3A_87] : memref<64x40x125xi32, #tpu.memory_space<hbm>> -> memref<1x40x125xi32, #tpu.memory_space<hbm>>
        %dma_start3A_89 = tpu.memref_squeeze %dma_start3A_88 : memref<1x40x125xi32, #tpu.memory_space<hbm>> -> memref<40x125xi32, #tpu.memory_space<hbm>>
        tpu.enqueue_dma source(%dma_start3A_89 : memref<40x125xi32, #tpu.memory_space<hbm>>) target(%arg7 : memref<40x125xi32, #tpu.memory_space<vmem>>) target_semaphore(%run_scoped3A : memref<!tpu.dma_semaphore, #tpu.memory_space<semaphore_mem>>)
        %dma_wait3A_90 = arith.constant 0 : i32
        %dma_wait3A_91 = arith.constant 0 : i32
        %dma_wait3A_92 = tpu.memref_slice %arg3[%add3A_22, %dma_wait3A_90, %dma_wait3A_91] : memref<64x40x125xi32, #tpu.memory_space<hbm>> -> memref<1x40x125xi32, #tpu.memory_space<hbm>>
        %dma_wait3A_93 = tpu.memref_squeeze %dma_wait3A_92 : memref<1x40x125xi32, #tpu.memory_space<hbm>> -> memref<40x125xi32, #tpu.memory_space<hbm>>
        %dma_wait3A_94 = arith.constant 0 : i32
        %dma_wait3A_95 = arith.constant 0 : i32
        %dma_wait3A_96 = tpu.memref_slice %arg3[%add3A_22, %dma_wait3A_94, %dma_wait3A_95] : memref<64x40x125xi32, #tpu.memory_space<hbm>> -> memref<1x40x125xi32, #tpu.memory_space<hbm>>
        %dma_wait3A_97 = tpu.memref_squeeze %dma_wait3A_96 : memref<1x40x125xi32, #tpu.memory_space<hbm>> -> memref<40x125xi32, #tpu.memory_space<hbm>>
        tpu.wait_dma2 semaphore(%run_scoped3A : memref<!tpu.dma_semaphore, #tpu.memory_space<semaphore_mem>>) src(%dma_wait3A_97 : memref<40x125xi32, #tpu.memory_space<hbm>>) dst(%arg7 : memref<40x125xi32, #tpu.memory_space<vmem>>)
        tpu.yield
      }) : () -> ()
      "tpu.region"() ({
        %run_scoped3A = tpu.sem_alloc : memref<!tpu.dma_semaphore, #tpu.memory_space<semaphore_mem>>
        %dma_start3A_82 = arith.constant 0 : i32
        %dma_start3A_83 = arith.constant 0 : i32
        %dma_start3A_84 = tpu.memref_slice %arg4[%add3A_22, %dma_start3A_82, %dma_start3A_83] : memref<64x40x125xi32, #tpu.memory_space<hbm>> -> memref<1x40x125xi32, #tpu.memory_space<hbm>>
        %dma_start3A_85 = tpu.memref_squeeze %dma_start3A_84 : memref<1x40x125xi32, #tpu.memory_space<hbm>> -> memref<40x125xi32, #tpu.memory_space<hbm>>
        %dma_start3A_86 = arith.constant 0 : i32
        %dma_start3A_87 = arith.constant 0 : i32
        %dma_start3A_88 = tpu.memref_slice %arg4[%add3A_22, %dma_start3A_86, %dma_start3A_87] : memref<64x40x125xi32, #tpu.memory_space<hbm>> -> memref<1x40x125xi32, #tpu.memory_space<hbm>>
        %dma_start3A_89 = tpu.memref_squeeze %dma_start3A_88 : memref<1x40x125xi32, #tpu.memory_space<hbm>> -> memref<40x125xi32, #tpu.memory_space<hbm>>
        tpu.enqueue_dma source(%dma_start3A_89 : memref<40x125xi32, #tpu.memory_space<hbm>>) target(%arg8 : memref<40x125xi32, #tpu.memory_space<vmem>>) target_semaphore(%run_scoped3A : memref<!tpu.dma_semaphore, #tpu.memory_space<semaphore_mem>>)
        %dma_wait3A_90 = arith.constant 0 : i32
        %dma_wait3A_91 = arith.constant 0 : i32
        %dma_wait3A_92 = tpu.memref_slice %arg4[%add3A_22, %dma_wait3A_90, %dma_wait3A_91] : memref<64x40x125xi32, #tpu.memory_space<hbm>> -> memref<1x40x125xi32, #tpu.memory_space<hbm>>
        %dma_wait3A_93 = tpu.memref_squeeze %dma_wait3A_92 : memref<1x40x125xi32, #tpu.memory_space<hbm>> -> memref<40x125xi32, #tpu.memory_space<hbm>>
        %dma_wait3A_94 = arith.constant 0 : i32
        %dma_wait3A_95 = arith.constant 0 : i32
        %dma_wait3A_96 = tpu.memref_slice %arg4[%add3A_22, %dma_wait3A_94, %dma_wait3A_95] : memref<64x40x125xi32, #tpu.memory_space<hbm>> -> memref<1x40x125xi32, #tpu.memory_space<hbm>>
        %dma_wait3A_97 = tpu.memref_squeeze %dma_wait3A_96 : memref<1x40x125xi32, #tpu.memory_space<hbm>> -> memref<40x125xi32, #tpu.memory_space<hbm>>
        tpu.wait_dma2 semaphore(%run_scoped3A : memref<!tpu.dma_semaphore, #tpu.memory_space<semaphore_mem>>) src(%dma_wait3A_97 : memref<40x125xi32, #tpu.memory_space<hbm>>) dst(%arg8 : memref<40x125xi32, #tpu.memory_space<vmem>>)
        tpu.yield
      }) : () -> ()
      %dma_start3A = arith.constant 0 : i32
      %dma_start3A_23 = arith.constant 0 : i32
      %dma_start3A_24 = tpu.memref_slice %arg7[%dma_start3A, %dma_start3A_23] : memref<40x125xi32, #tpu.memory_space<vmem>> -> memref<1x125xi32, #tpu.memory_space<vmem>>
      %dma_start3A_25 = tpu.memref_squeeze %dma_start3A_24 : memref<1x125xi32, #tpu.memory_space<vmem>> -> memref<125xi32, #tpu.memory_space<vmem>>
      %dma_start3A_26 = arith.constant 0 : i32
      %dma_start3A_27 = arith.constant 0 : i32
      %dma_start3A_28 = tpu.memref_slice %arg2[%dma_start3A_26, %dma_start3A_27] : memref<270000x128xf32, #tpu.memory_space<hbm>> -> memref<270000x128xf32, #tpu.memory_space<hbm>>
      tpu.enqueue_indirect_dma source(%dma_start3A_28 : memref<270000x128xf32, #tpu.memory_space<hbm>>) target(%arg9 : memref<125x128xf32, #tpu.memory_space<vmem>>) offsets(%dma_start3A_25 : memref<125xi32, #tpu.memory_space<vmem>>) semaphore(%arg12 : memref<!tpu.dma_semaphore, #tpu.memory_space<semaphore_mem>>)
      %dma_wait3A = arith.constant 0 : i32
      %dma_wait3A_29 = arith.constant 0 : i32
      %dma_wait3A_30 = tpu.memref_slice %arg7[%dma_wait3A, %dma_wait3A_29] : memref<40x125xi32, #tpu.memory_space<vmem>> -> memref<1x125xi32, #tpu.memory_space<vmem>>
      %dma_wait3A_31 = tpu.memref_squeeze %dma_wait3A_30 : memref<1x125xi32, #tpu.memory_space<vmem>> -> memref<125xi32, #tpu.memory_space<vmem>>
      %dma_wait3A_32 = arith.constant 0 : i32
      %dma_wait3A_33 = arith.constant 0 : i32
      %dma_wait3A_34 = tpu.memref_slice %arg2[%dma_wait3A_32, %dma_wait3A_33] : memref<270000x128xf32, #tpu.memory_space<hbm>> -> memref<270000x128xf32, #tpu.memory_space<hbm>>
      tpu.wait_indirect_dma semaphore(%arg12 : memref<!tpu.dma_semaphore, #tpu.memory_space<semaphore_mem>>) src(%dma_wait3A_34 : memref<270000x128xf32, #tpu.memory_space<hbm>>) dst(%arg9 : memref<125x128xf32, #tpu.memory_space<vmem>>)
      %scan3A_35 = arith.constant 0 : i32
      %scan3A_36 = arith.constant 19 : i32
      %scan3A_37 = arith.addi %scan3A_35, %scan3A_36 : i32
      %scan3A_38 = arith.constant 1 : i32
      scf.for %scan3A_82 = %scan3A_35 to %scan3A_37 step %scan3A_38  : i32 {
        %mul3A_83 = arith.constant 1 : i32
        %mul3A_84 = arith.muli %scan3A_82, %mul3A_83 : i32
        %add3A_85 = arith.constant 0 : i32
        %add3A_86 = arith.addi %add3A_85, %mul3A_84 : i32
        %mul3A_87 = arith.constant 2 : i32
        %mul3A_88 = arith.muli %mul3A_87, %add3A_86 : i32
        %dma_start3A_89 = arith.constant 0 : i32
        %dma_start3A_90 = tpu.memref_slice %arg8[%mul3A_88, %dma_start3A_89] : memref<40x125xi32, #tpu.memory_space<vmem>> -> memref<1x125xi32, #tpu.memory_space<vmem>>
        %dma_start3A_91 = tpu.memref_squeeze %dma_start3A_90 : memref<1x125xi32, #tpu.memory_space<vmem>> -> memref<125xi32, #tpu.memory_space<vmem>>
        %dma_start3A_92 = arith.constant 0 : i32
        %dma_start3A_93 = arith.constant 0 : i32
        %dma_start3A_94 = tpu.memref_slice %arg11[%dma_start3A_92, %dma_start3A_93] : memref<10000x128xf32, #tpu.memory_space<vmem_shared>> -> memref<10000x128xf32, #tpu.memory_space<vmem_shared>>
        tpu.enqueue_indirect_dma source(%arg9 : memref<125x128xf32, #tpu.memory_space<vmem>>) target(%dma_start3A_94 : memref<10000x128xf32, #tpu.memory_space<vmem_shared>>) offsets(%dma_start3A_91 : memref<125xi32, #tpu.memory_space<vmem>>) semaphore(%arg13 : memref<!tpu.dma_semaphore, #tpu.memory_space<semaphore_mem>>) {add = true}
        %add3A_95 = arith.constant 1 : i32
        %add3A_96 = arith.addi %mul3A_88, %add3A_95 : i32
        %dma_start3A_97 = arith.constant 0 : i32
        %dma_start3A_98 = tpu.memref_slice %arg7[%add3A_96, %dma_start3A_97] : memref<40x125xi32, #tpu.memory_space<vmem>> -> memref<1x125xi32, #tpu.memory_space<vmem>>
        %dma_start3A_99 = tpu.memref_squeeze %dma_start3A_98 : memref<1x125xi32, #tpu.memory_space<vmem>> -> memref<125xi32, #tpu.memory_space<vmem>>
        %dma_start3A_100 = arith.constant 0 : i32
        %dma_start3A_101 = arith.constant 0 : i32
        %dma_start3A_102 = tpu.memref_slice %arg2[%dma_start3A_100, %dma_start3A_101] : memref<270000x128xf32, #tpu.memory_space<hbm>> -> memref<270000x128xf32, #tpu.memory_space<hbm>>
        tpu.enqueue_indirect_dma source(%dma_start3A_102 : memref<270000x128xf32, #tpu.memory_space<hbm>>) target(%arg10 : memref<125x128xf32, #tpu.memory_space<vmem>>) offsets(%dma_start3A_99 : memref<125xi32, #tpu.memory_space<vmem>>) semaphore(%arg12 : memref<!tpu.dma_semaphore, #tpu.memory_space<semaphore_mem>>)
        %dma_wait3A_103 = arith.constant 0 : i32
        %dma_wait3A_104 = tpu.memref_slice %arg7[%add3A_96, %dma_wait3A_103] : memref<40x125xi32, #tpu.memory_space<vmem>> -> memref<1x125xi32, #tpu.memory_space<vmem>>
        %dma_wait3A_105 = tpu.memref_squeeze %dma_wait3A_104 : memref<1x125xi32, #tpu.memory_space<vmem>> -> memref<125xi32, #tpu.memory_space<vmem>>
        %dma_wait3A_106 = arith.constant 0 : i32
        %dma_wait3A_107 = arith.constant 0 : i32
        %dma_wait3A_108 = tpu.memref_slice %arg2[%dma_wait3A_106, %dma_wait3A_107] : memref<270000x128xf32, #tpu.memory_space<hbm>> -> memref<270000x128xf32, #tpu.memory_space<hbm>>
        tpu.wait_indirect_dma semaphore(%arg12 : memref<!tpu.dma_semaphore, #tpu.memory_space<semaphore_mem>>) src(%dma_wait3A_108 : memref<270000x128xf32, #tpu.memory_space<hbm>>) dst(%arg10 : memref<125x128xf32, #tpu.memory_space<vmem>>)
        %dma_wait3A_109 = arith.constant 0 : i32
        %dma_wait3A_110 = tpu.memref_slice %arg8[%mul3A_88, %dma_wait3A_109] : memref<40x125xi32, #tpu.memory_space<vmem>> -> memref<1x125xi32, #tpu.memory_space<vmem>>
        %dma_wait3A_111 = tpu.memref_squeeze %dma_wait3A_110 : memref<1x125xi32, #tpu.memory_space<vmem>> -> memref<125xi32, #tpu.memory_space<vmem>>
        %dma_wait3A_112 = arith.constant 0 : i32
        %dma_wait3A_113 = arith.constant 0 : i32
        %dma_wait3A_114 = tpu.memref_slice %arg11[%dma_wait3A_112, %dma_wait3A_113] : memref<10000x128xf32, #tpu.memory_space<vmem_shared>> -> memref<10000x128xf32, #tpu.memory_space<vmem_shared>>
        tpu.wait_indirect_dma semaphore(%arg13 : memref<!tpu.dma_semaphore, #tpu.memory_space<semaphore_mem>>) src(%arg9 : memref<125x128xf32, #tpu.memory_space<vmem>>) dst(%dma_wait3A_114 : memref<10000x128xf32, #tpu.memory_space<vmem_shared>>)
        %add3A_115 = arith.constant 1 : i32
        %add3A_116 = arith.addi %mul3A_88, %add3A_115 : i32
        %dma_start3A_117 = arith.constant 0 : i32
        %dma_start3A_118 = tpu.memref_slice %arg8[%add3A_116, %dma_start3A_117] : memref<40x125xi32, #tpu.memory_space<vmem>> -> memref<1x125xi32, #tpu.memory_space<vmem>>
        %dma_start3A_119 = tpu.memref_squeeze %dma_start3A_118 : memref<1x125xi32, #tpu.memory_space<vmem>> -> memref<125xi32, #tpu.memory_space<vmem>>
        %dma_start3A_120 = arith.constant 0 : i32
        %dma_start3A_121 = arith.constant 0 : i32
        %dma_start3A_122 = tpu.memref_slice %arg11[%dma_start3A_120, %dma_start3A_121] : memref<10000x128xf32, #tpu.memory_space<vmem_shared>> -> memref<10000x128xf32, #tpu.memory_space<vmem_shared>>
        tpu.enqueue_indirect_dma source(%arg10 : memref<125x128xf32, #tpu.memory_space<vmem>>) target(%dma_start3A_122 : memref<10000x128xf32, #tpu.memory_space<vmem_shared>>) offsets(%dma_start3A_119 : memref<125xi32, #tpu.memory_space<vmem>>) semaphore(%arg13 : memref<!tpu.dma_semaphore, #tpu.memory_space<semaphore_mem>>) {add = true}
        %add3A_123 = arith.constant 2 : i32
        %add3A_124 = arith.addi %mul3A_88, %add3A_123 : i32
        %dma_start3A_125 = arith.constant 0 : i32
        %dma_start3A_126 = tpu.memref_slice %arg7[%add3A_124, %dma_start3A_125] : memref<40x125xi32, #tpu.memory_space<vmem>> -> memref<1x125xi32, #tpu.memory_space<vmem>>
        %dma_start3A_127 = tpu.memref_squeeze %dma_start3A_126 : memref<1x125xi32, #tpu.memory_space<vmem>> -> memref<125xi32, #tpu.memory_space<vmem>>
        %dma_start3A_128 = arith.constant 0 : i32
        %dma_start3A_129 = arith.constant 0 : i32
        %dma_start3A_130 = tpu.memref_slice %arg2[%dma_start3A_128, %dma_start3A_129] : memref<270000x128xf32, #tpu.memory_space<hbm>> -> memref<270000x128xf32, #tpu.memory_space<hbm>>
        tpu.enqueue_indirect_dma source(%dma_start3A_130 : memref<270000x128xf32, #tpu.memory_space<hbm>>) target(%arg9 : memref<125x128xf32, #tpu.memory_space<vmem>>) offsets(%dma_start3A_127 : memref<125xi32, #tpu.memory_space<vmem>>) semaphore(%arg12 : memref<!tpu.dma_semaphore, #tpu.memory_space<semaphore_mem>>)
        %dma_wait3A_131 = arith.constant 0 : i32
        %dma_wait3A_132 = tpu.memref_slice %arg7[%add3A_124, %dma_wait3A_131] : memref<40x125xi32, #tpu.memory_space<vmem>> -> memref<1x125xi32, #tpu.memory_space<vmem>>
        %dma_wait3A_133 = tpu.memref_squeeze %dma_wait3A_132 : memref<1x125xi32, #tpu.memory_space<vmem>> -> memref<125xi32, #tpu.memory_space<vmem>>
        %dma_wait3A_134 = arith.constant 0 : i32
        %dma_wait3A_135 = arith.constant 0 : i32
        %dma_wait3A_136 = tpu.memref_slice %arg2[%dma_wait3A_134, %dma_wait3A_135] : memref<270000x128xf32, #tpu.memory_space<hbm>> -> memref<270000x128xf32, #tpu.memory_space<hbm>>
        tpu.wait_indirect_dma semaphore(%arg12 : memref<!tpu.dma_semaphore, #tpu.memory_space<semaphore_mem>>) src(%dma_wait3A_136 : memref<270000x128xf32, #tpu.memory_space<hbm>>) dst(%arg9 : memref<125x128xf32, #tpu.memory_space<vmem>>)
        %dma_wait3A_137 = arith.constant 0 : i32
        %dma_wait3A_138 = tpu.memref_slice %arg8[%add3A_116, %dma_wait3A_137] : memref<40x125xi32, #tpu.memory_space<vmem>> -> memref<1x125xi32, #tpu.memory_space<vmem>>
        %dma_wait3A_139 = tpu.memref_squeeze %dma_wait3A_138 : memref<1x125xi32, #tpu.memory_space<vmem>> -> memref<125xi32, #tpu.memory_space<vmem>>
        %dma_wait3A_140 = arith.constant 0 : i32
        %dma_wait3A_141 = arith.constant 0 : i32
        %dma_wait3A_142 = tpu.memref_slice %arg11[%dma_wait3A_140, %dma_wait3A_141] : memref<10000x128xf32, #tpu.memory_space<vmem_shared>> -> memref<10000x128xf32, #tpu.memory_space<vmem_shared>>
        tpu.wait_indirect_dma semaphore(%arg13 : memref<!tpu.dma_semaphore, #tpu.memory_space<semaphore_mem>>) src(%arg10 : memref<125x128xf32, #tpu.memory_space<vmem>>) dst(%dma_wait3A_142 : memref<10000x128xf32, #tpu.memory_space<vmem_shared>>)
      }
      %scan3A_39 = arith.constant 19 : i32
      %dma_start3A_40 = arith.constant 38 : i32
      %dma_start3A_41 = arith.constant 0 : i32
      %dma_start3A_42 = tpu.memref_slice %arg8[%dma_start3A_40, %dma_start3A_41] : memref<40x125xi32, #tpu.memory_space<vmem>> -> memref<1x125xi32, #tpu.memory_space<vmem>>
      %dma_start3A_43 = tpu.memref_squeeze %dma_start3A_42 : memref<1x125xi32, #tpu.memory_space<vmem>> -> memref<125xi32, #tpu.memory_space<vmem>>
      %dma_start3A_44 = arith.constant 0 : i32
      %dma_start3A_45 = arith.constant 0 : i32
      %dma_start3A_46 = tpu.memref_slice %arg11[%dma_start3A_44, %dma_start3A_45] : memref<10000x128xf32, #tpu.memory_space<vmem_shared>> -> memref<10000x128xf32, #tpu.memory_space<vmem_shared>>
      tpu.enqueue_indirect_dma source(%arg9 : memref<125x128xf32, #tpu.memory_space<vmem>>) target(%dma_start3A_46 : memref<10000x128xf32, #tpu.memory_space<vmem_shared>>) offsets(%dma_start3A_43 : memref<125xi32, #tpu.memory_space<vmem>>) semaphore(%arg13 : memref<!tpu.dma_semaphore, #tpu.memory_space<semaphore_mem>>) {add = true}
      %dma_start3A_47 = arith.constant 39 : i32
      %dma_start3A_48 = arith.constant 0 : i32
      %dma_start3A_49 = tpu.memref_slice %arg7[%dma_start3A_47, %dma_start3A_48] : memref<40x125xi32, #tpu.memory_space<vmem>> -> memref<1x125xi32, #tpu.memory_space<vmem>>
      %dma_start3A_50 = tpu.memref_squeeze %dma_start3A_49 : memref<1x125xi32, #tpu.memory_space<vmem>> -> memref<125xi32, #tpu.memory_space<vmem>>
      %dma_start3A_51 = arith.constant 0 : i32
      %dma_start3A_52 = arith.constant 0 : i32
      %dma_start3A_53 = tpu.memref_slice %arg2[%dma_start3A_51, %dma_start3A_52] : memref<270000x128xf32, #tpu.memory_space<hbm>> -> memref<270000x128xf32, #tpu.memory_space<hbm>>
      tpu.enqueue_indirect_dma source(%dma_start3A_53 : memref<270000x128xf32, #tpu.memory_space<hbm>>) target(%arg10 : memref<125x128xf32, #tpu.memory_space<vmem>>) offsets(%dma_start3A_50 : memref<125xi32, #tpu.memory_space<vmem>>) semaphore(%arg12 : memref<!tpu.dma_semaphore, #tpu.memory_space<semaphore_mem>>)
      %dma_wait3A_54 = arith.constant 39 : i32
      %dma_wait3A_55 = arith.constant 0 : i32
      %dma_wait3A_56 = tpu.memref_slice %arg7[%dma_wait3A_54, %dma_wait3A_55] : memref<40x125xi32, #tpu.memory_space<vmem>> -> memref<1x125xi32, #tpu.memory_space<vmem>>
      %dma_wait3A_57 = tpu.memref_squeeze %dma_wait3A_56 : memref<1x125xi32, #tpu.memory_space<vmem>> -> memref<125xi32, #tpu.memory_space<vmem>>
      %dma_wait3A_58 = arith.constant 0 : i32
      %dma_wait3A_59 = arith.constant 0 : i32
      %dma_wait3A_60 = tpu.memref_slice %arg2[%dma_wait3A_58, %dma_wait3A_59] : memref<270000x128xf32, #tpu.memory_space<hbm>> -> memref<270000x128xf32, #tpu.memory_space<hbm>>
      tpu.wait_indirect_dma semaphore(%arg12 : memref<!tpu.dma_semaphore, #tpu.memory_space<semaphore_mem>>) src(%dma_wait3A_60 : memref<270000x128xf32, #tpu.memory_space<hbm>>) dst(%arg10 : memref<125x128xf32, #tpu.memory_space<vmem>>)
      %dma_wait3A_61 = arith.constant 38 : i32
      %dma_wait3A_62 = arith.constant 0 : i32
      %dma_wait3A_63 = tpu.memref_slice %arg8[%dma_wait3A_61, %dma_wait3A_62] : memref<40x125xi32, #tpu.memory_space<vmem>> -> memref<1x125xi32, #tpu.memory_space<vmem>>
      %dma_wait3A_64 = tpu.memref_squeeze %dma_wait3A_63 : memref<1x125xi32, #tpu.memory_space<vmem>> -> memref<125xi32, #tpu.memory_space<vmem>>
      %dma_wait3A_65 = arith.constant 0 : i32
      %dma_wait3A_66 = arith.constant 0 : i32
      %dma_wait3A_67 = tpu.memref_slice %arg11[%dma_wait3A_65, %dma_wait3A_66] : memref<10000x128xf32, #tpu.memory_space<vmem_shared>> -> memref<10000x128xf32, #tpu.memory_space<vmem_shared>>
      tpu.wait_indirect_dma semaphore(%arg13 : memref<!tpu.dma_semaphore, #tpu.memory_space<semaphore_mem>>) src(%arg9 : memref<125x128xf32, #tpu.memory_space<vmem>>) dst(%dma_wait3A_67 : memref<10000x128xf32, #tpu.memory_space<vmem_shared>>)
      %dma_start3A_68 = arith.constant 39 : i32
      %dma_start3A_69 = arith.constant 0 : i32
      %dma_start3A_70 = tpu.memref_slice %arg8[%dma_start3A_68, %dma_start3A_69] : memref<40x125xi32, #tpu.memory_space<vmem>> -> memref<1x125xi32, #tpu.memory_space<vmem>>
      %dma_start3A_71 = tpu.memref_squeeze %dma_start3A_70 : memref<1x125xi32, #tpu.memory_space<vmem>> -> memref<125xi32, #tpu.memory_space<vmem>>
      %dma_start3A_72 = arith.constant 0 : i32
      %dma_start3A_73 = arith.constant 0 : i32
      %dma_start3A_74 = tpu.memref_slice %arg11[%dma_start3A_72, %dma_start3A_73] : memref<10000x128xf32, #tpu.memory_space<vmem_shared>> -> memref<10000x128xf32, #tpu.memory_space<vmem_shared>>
      tpu.enqueue_indirect_dma source(%arg10 : memref<125x128xf32, #tpu.memory_space<vmem>>) target(%dma_start3A_74 : memref<10000x128xf32, #tpu.memory_space<vmem_shared>>) offsets(%dma_start3A_71 : memref<125xi32, #tpu.memory_space<vmem>>) semaphore(%arg13 : memref<!tpu.dma_semaphore, #tpu.memory_space<semaphore_mem>>) {add = true}
      %dma_wait3A_75 = arith.constant 39 : i32
      %dma_wait3A_76 = arith.constant 0 : i32
      %dma_wait3A_77 = tpu.memref_slice %arg8[%dma_wait3A_75, %dma_wait3A_76] : memref<40x125xi32, #tpu.memory_space<vmem>> -> memref<1x125xi32, #tpu.memory_space<vmem>>
      %dma_wait3A_78 = tpu.memref_squeeze %dma_wait3A_77 : memref<1x125xi32, #tpu.memory_space<vmem>> -> memref<125xi32, #tpu.memory_space<vmem>>
      %dma_wait3A_79 = arith.constant 0 : i32
      %dma_wait3A_80 = arith.constant 0 : i32
      %dma_wait3A_81 = tpu.memref_slice %arg11[%dma_wait3A_79, %dma_wait3A_80] : memref<10000x128xf32, #tpu.memory_space<vmem_shared>> -> memref<10000x128xf32, #tpu.memory_space<vmem_shared>>
      tpu.wait_indirect_dma semaphore(%arg13 : memref<!tpu.dma_semaphore, #tpu.memory_space<semaphore_mem>>) src(%arg10 : memref<125x128xf32, #tpu.memory_space<vmem>>) dst(%dma_wait3A_81 : memref<10000x128xf32, #tpu.memory_space<vmem_shared>>)
    }
    %scan3A_8 = arith.constant 2 : i32
    %barrier3A_9 = arith.constant 0 : index
    tpu.barrier barrier_id(%barrier3A_9)
    "tpu.region"() ({
      %run_scoped3A = tpu.sem_alloc : memref<!tpu.dma_semaphore, #tpu.memory_space<semaphore_mem>>
      %dma_start3A = arith.constant 0 : i32
      %dma_start3A_15 = tpu.memref_slice %arg6[%arg0, %mul3A_2, %dma_start3A] : memref<2x10000x128xf32, #tpu.memory_space<hbm>> -> memref<1x624x128xf32, #tpu.memory_space<hbm>>
      %dma_start3A_16 = tpu.memref_squeeze %dma_start3A_15 : memref<1x624x128xf32, #tpu.memory_space<hbm>> -> memref<624x128xf32, #tpu.memory_space<hbm>>
      %dma_start3A_17 = arith.constant 0 : i32
      %dma_start3A_18 = tpu.memref_slice %arg11[%mul3A_2, %dma_start3A_17] : memref<10000x128xf32, #tpu.memory_space<vmem_shared>> -> memref<624x128xf32, #tpu.memory_space<vmem_shared>>
      tpu.enqueue_dma source(%dma_start3A_18 : memref<624x128xf32, #tpu.memory_space<vmem_shared>>) target(%dma_start3A_16 : memref<624x128xf32, #tpu.memory_space<hbm>>) target_semaphore(%run_scoped3A : memref<!tpu.dma_semaphore, #tpu.memory_space<semaphore_mem>>)
      %dma_wait3A = arith.constant 0 : i32
      %dma_wait3A_19 = tpu.memref_slice %arg6[%arg0, %mul3A_2, %dma_wait3A] : memref<2x10000x128xf32, #tpu.memory_space<hbm>> -> memref<1x624x128xf32, #tpu.memory_space<hbm>>
      %dma_wait3A_20 = tpu.memref_squeeze %dma_wait3A_19 : memref<1x624x128xf32, #tpu.memory_space<hbm>> -> memref<624x128xf32, #tpu.memory_space<hbm>>
      %dma_wait3A_21 = arith.constant 0 : i32
      %dma_wait3A_22 = tpu.memref_slice %arg11[%mul3A_2, %dma_wait3A_21] : memref<10000x128xf32, #tpu.memory_space<vmem_shared>> -> memref<624x128xf32, #tpu.memory_space<vmem_shared>>
      tpu.wait_dma2 semaphore(%run_scoped3A : memref<!tpu.dma_semaphore, #tpu.memory_space<semaphore_mem>>) src(%dma_wait3A_22 : memref<624x128xf32, #tpu.memory_space<vmem_shared>>) dst(%dma_wait3A_20 : memref<624x128xf32, #tpu.memory_space<hbm>>)
      tpu.yield
    }) : () -> ()
    %eq3A_10 = arith.constant 0 : i32
    %eq3A_11 = arith.cmpi eq, %arg1, %eq3A_10 : i32
    %convert_element_type3A_12 = arith.extui %eq3A_11 : i1 to i32
    %cond3A_13 = arith.constant 0 : i32
    %cond3A_14 = arith.cmpi ne, %convert_element_type3A_12, %cond3A_13 : i32
    scf.if %cond3A_14 {
      "tpu.region"() ({
        %run_scoped3A = tpu.sem_alloc : memref<!tpu.dma_semaphore, #tpu.memory_space<semaphore_mem>>
        %dma_start3A = arith.constant 9984 : i32
        %dma_start3A_15 = arith.constant 0 : i32
        %dma_start3A_16 = tpu.memref_slice %arg6[%arg0, %dma_start3A, %dma_start3A_15] : memref<2x10000x128xf32, #tpu.memory_space<hbm>> -> memref<1x16x128xf32, #tpu.memory_space<hbm>>
        %dma_start3A_17 = tpu.memref_squeeze %dma_start3A_16 : memref<1x16x128xf32, #tpu.memory_space<hbm>> -> memref<16x128xf32, #tpu.memory_space<hbm>>
        %dma_start3A_18 = arith.constant 9984 : i32
        %dma_start3A_19 = arith.constant 0 : i32
        %dma_start3A_20 = tpu.memref_slice %arg11[%dma_start3A_18, %dma_start3A_19] : memref<10000x128xf32, #tpu.memory_space<vmem_shared>> -> memref<16x128xf32, #tpu.memory_space<vmem_shared>>
        tpu.enqueue_dma source(%dma_start3A_20 : memref<16x128xf32, #tpu.memory_space<vmem_shared>>) target(%dma_start3A_17 : memref<16x128xf32, #tpu.memory_space<hbm>>) target_semaphore(%run_scoped3A : memref<!tpu.dma_semaphore, #tpu.memory_space<semaphore_mem>>)
        %dma_wait3A = arith.constant 9984 : i32
        %dma_wait3A_21 = arith.constant 0 : i32
        %dma_wait3A_22 = tpu.memref_slice %arg6[%arg0, %dma_wait3A, %dma_wait3A_21] : memref<2x10000x128xf32, #tpu.memory_space<hbm>> -> memref<1x16x128xf32, #tpu.memory_space<hbm>>
        %dma_wait3A_23 = tpu.memref_squeeze %dma_wait3A_22 : memref<1x16x128xf32, #tpu.memory_space<hbm>> -> memref<16x128xf32, #tpu.memory_space<hbm>>
        %dma_wait3A_24 = arith.constant 9984 : i32
        %dma_wait3A_25 = arith.constant 0 : i32
        %dma_wait3A_26 = tpu.memref_slice %arg11[%dma_wait3A_24, %dma_wait3A_25] : memref<10000x128xf32, #tpu.memory_space<vmem_shared>> -> memref<16x128xf32, #tpu.memory_space<vmem_shared>>
        tpu.wait_dma2 semaphore(%run_scoped3A : memref<!tpu.dma_semaphore, #tpu.memory_space<semaphore_mem>>) src(%dma_wait3A_26 : memref<16x128xf32, #tpu.memory_space<vmem_shared>>) dst(%dma_wait3A_23 : memref<16x128xf32, #tpu.memory_space<hbm>>)
        tpu.yield
      }) : () -> ()
    } else {
    }
    return
  }
}

#map = affine_map<(d0, d1) -> (0, 0)>
#map1 = affine_map<(d0, d1) -> (0, 0, 0)>
module attributes {stable_mosaic.version = 14 : i64} {
  func.func @conv(%arg0: i32, %arg1: i32, %arg2: memref<270000x128xf32, #tpu.memory_space<hbm>>, %arg3: memref<64x40x125xi32, #tpu.memory_space<hbm>>, %arg4: memref<64x40x125xi32, #tpu.memory_space<hbm>>, %arg5: memref<10000x128xf32, #tpu.memory_space<hbm>>, %arg6: memref<2x10000x128xf32, #tpu.memory_space<hbm>>, %arg7: memref<40x125xi32, #tpu.memory_space<vmem>>, %arg8: memref<40x125xi32, #tpu.memory_space<vmem>>, %arg9: memref<125x128xf32, #tpu.memory_space<vmem>>, %arg10: memref<125x128xf32, #tpu.memory_space<vmem>>, %arg11: memref<10000x128xf32, #tpu.memory_space<vmem_shared>>, %arg12: memref<!tpu.dma_semaphore, #tpu.memory_space<semaphore_mem>>, %arg13: memref<!tpu.dma_semaphore, #tpu.memory_space<semaphore_mem>>) attributes {dimension_semantics = [#tpu.dimension_semantics<core_parallel>, #tpu.dimension_semantics<subcore_parallel>], iteration_bounds = array<i64: 2, 16>, scalar_prefetch = 0 : i64, scratch_operands = 7 : i64, tpu.core_type = #tpu.core_type<sc_vector_subcore>, window_params = [{transform_indices = #map}, {transform_indices = #map1}, {transform_indices = #map1}, {transform_indices = #map}, {transform_indices = #map1}]} {
    %mul3A = arith.constant 16 : i32
    %mul3A_0 = arith.muli %arg0, %mul3A : i32
    %add3A = arith.addi %mul3A_0, %arg1 : i32
    %mul3A_1 = arith.constant 624 : i32
    %mul3A_2 = arith.muli %arg1, %mul3A_1 : i32
    "tpu.region"() ({
      %run_scoped3A = tpu.sem_alloc : memref<!tpu.dma_semaphore, #tpu.memory_space<semaphore_mem>>
      %dma_start3A = arith.constant 0 : i32
      %dma_start3A_15 = tpu.memref_slice %arg11[%mul3A_2, %dma_start3A] : memref<10000x128xf32, #tpu.memory_space<vmem_shared>> -> memref<624x128xf32, #tpu.memory_space<vmem_shared>>
      %dma_start3A_16 = arith.constant 0 : i32
      %dma_start3A_17 = tpu.memref_slice %arg5[%mul3A_2, %dma_start3A_16] : memref<10000x128xf32, #tpu.memory_space<hbm>> -> memref<624x128xf32, #tpu.memory_space<hbm>>
      tpu.enqueue_dma source(%dma_start3A_17 : memref<624x128xf32, #tpu.memory_space<hbm>>) target(%dma_start3A_15 : memref<624x128xf32, #tpu.memory_space<vmem_shared>>) target_semaphore(%run_scoped3A : memref<!tpu.dma_semaphore, #tpu.memory_space<semaphore_mem>>)
      %dma_wait3A = arith.constant 0 : i32
      %dma_wait3A_18 = tpu.memref_slice %arg11[%mul3A_2, %dma_wait3A] : memref<10000x128xf32, #tpu.memory_space<vmem_shared>> -> memref<624x128xf32, #tpu.memory_space<vmem_shared>>
      %dma_wait3A_19 = arith.constant 0 : i32
      %dma_wait3A_20 = tpu.memref_slice %arg5[%mul3A_2, %dma_wait3A_19] : memref<10000x128xf32, #tpu.memory_space<hbm>> -> memref<624x128xf32, #tpu.memory_space<hbm>>
      tpu.wait_dma2 semaphore(%run_scoped3A : memref<!tpu.dma_semaphore, #tpu.memory_space<semaphore_mem>>) src(%dma_wait3A_20 : memref<624x128xf32, #tpu.memory_space<hbm>>) dst(%dma_wait3A_18 : memref<624x128xf32, #tpu.memory_space<vmem_shared>>)
      tpu.yield
    }) : () -> ()
    %eq3A = arith.constant 0 : i32
    %eq3A_3 = arith.cmpi eq, %arg1, %eq3A : i32
    %convert_element_type3A = arith.extui %eq3A_3 : i1 to i32
    %cond3A = arith.constant 0 : i32
    %cond3A_4 = arith.cmpi ne, %convert_element_type3A, %cond3A : i32
    scf.if %cond3A_4 {
      "tpu.region"() ({
        %run_scoped3A = tpu.sem_alloc : memref<!tpu.dma_semaphore, #tpu.memory_space<semaphore_mem>>
        %dma_start3A = arith.constant 9984 : i32
        %dma_start3A_15 = arith.constant 0 : i32
        %dma_start3A_16 = tpu.memref_slice %arg11[%dma_start3A, %dma_start3A_15] : memref<10000x128xf32, #tpu.memory_space<vmem_shared>> -> memref<16x128xf32, #tpu.memory_space<vmem_shared>>
        %dma_start3A_17 = arith.constant 9984 : i32
        %dma_start3A_18 = arith.constant 0 : i32
        %dma_start3A_19 = tpu.memref_slice %arg5[%dma_start3A_17, %dma_start3A_18] : memref<10000x128xf32, #tpu.memory_space<hbm>> -> memref<16x128xf32, #tpu.memory_space<hbm>>
        tpu.enqueue_dma source(%dma_start3A_19 : memref<16x128xf32, #tpu.memory_space<hbm>>) target(%dma_start3A_16 : memref<16x128xf32, #tpu.memory_space<vmem_shared>>) target_semaphore(%run_scoped3A : memref<!tpu.dma_semaphore, #tpu.memory_space<semaphore_mem>>)
        %dma_wait3A = arith.constant 9984 : i32
        %dma_wait3A_20 = arith.constant 0 : i32
        %dma_wait3A_21 = tpu.memref_slice %arg11[%dma_wait3A, %dma_wait3A_20] : memref<10000x128xf32, #tpu.memory_space<vmem_shared>> -> memref<16x128xf32, #tpu.memory_space<vmem_shared>>
        %dma_wait3A_22 = arith.constant 9984 : i32
        %dma_wait3A_23 = arith.constant 0 : i32
        %dma_wait3A_24 = tpu.memref_slice %arg5[%dma_wait3A_22, %dma_wait3A_23] : memref<10000x128xf32, #tpu.memory_space<hbm>> -> memref<16x128xf32, #tpu.memory_space<hbm>>
        tpu.wait_dma2 semaphore(%run_scoped3A : memref<!tpu.dma_semaphore, #tpu.memory_space<semaphore_mem>>) src(%dma_wait3A_24 : memref<16x128xf32, #tpu.memory_space<hbm>>) dst(%dma_wait3A_21 : memref<16x128xf32, #tpu.memory_space<vmem_shared>>)
        tpu.yield
      }) : () -> ()
    } else {
    }
    %barrier3A = arith.constant 0 : index
    tpu.barrier barrier_id(%barrier3A)
    %scan3A = arith.constant 0 : i32
    %scan3A_5 = arith.constant 2 : i32
    %scan3A_6 = arith.addi %scan3A, %scan3A_5 : i32
    %scan3A_7 = arith.constant 1 : i32
    scf.for %scan3A_15 = %scan3A to %scan3A_6 step %scan3A_7  : i32 {
      %mul3A_16 = arith.constant 1 : i32
      %mul3A_17 = arith.muli %scan3A_15, %mul3A_16 : i32
      %add3A_18 = arith.constant 0 : i32
      %add3A_19 = arith.addi %add3A_18, %mul3A_17 : i32
      %mul3A_20 = arith.constant 2 : i32
      %mul3A_21 = arith.muli %add3A, %mul3A_20 : i32
      %add3A_22 = arith.addi %mul3A_21, %add3A_19 : i32
      "tpu.region"() ({
        %run_scoped3A = tpu.sem_alloc : memref<!tpu.dma_semaphore, #tpu.memory_space<semaphore_mem>>
        %dma_start3A_82 = arith.constant 0 : i32
        %dma_start3A_83 = arith.constant 0 : i32
        %dma_start3A_84 = tpu.memref_slice %arg3[%add3A_22, %dma_start3A_82, %dma_start3A_83] : memref<64x40x125xi32, #tpu.memory_space<hbm>> -> memref<1x40x125xi32, #tpu.memory_space<hbm>>
        %dma_start3A_85 = tpu.memref_squeeze %dma_start3A_84 : memref<1x40x125xi32, #tpu.memory_space<hbm>> -> memref<40x125xi32, #tpu.memory_space<hbm>>
        %dma_start3A_86 = arith.constant 0 : i32
        %dma_start3A_87 = arith.constant 0 : i32
        %dma_start3A_88 = tpu.memref_slice %arg3[%add3A_22, %dma_start3A_86, %dma_start3A_87] : memref<64x40x125xi32, #tpu.memory_space<hbm>> -> memref<1x40x125xi32, #tpu.memory_space<hbm>>
        %dma_start3A_89 = tpu.memref_squeeze %dma_start3A_88 : memref<1x40x125xi32, #tpu.memory_space<hbm>> -> memref<40x125xi32, #tpu.memory_space<hbm>>
        tpu.enqueue_dma source(%dma_start3A_89 : memref<40x125xi32, #tpu.memory_space<hbm>>) target(%arg7 : memref<40x125xi32, #tpu.memory_space<vmem>>) target_semaphore(%run_scoped3A : memref<!tpu.dma_semaphore, #tpu.memory_space<semaphore_mem>>)
        %dma_wait3A_90 = arith.constant 0 : i32
        %dma_wait3A_91 = arith.constant 0 : i32
        %dma_wait3A_92 = tpu.memref_slice %arg3[%add3A_22, %dma_wait3A_90, %dma_wait3A_91] : memref<64x40x125xi32, #tpu.memory_space<hbm>> -> memref<1x40x125xi32, #tpu.memory_space<hbm>>
        %dma_wait3A_93 = tpu.memref_squeeze %dma_wait3A_92 : memref<1x40x125xi32, #tpu.memory_space<hbm>> -> memref<40x125xi32, #tpu.memory_space<hbm>>
        %dma_wait3A_94 = arith.constant 0 : i32
        %dma_wait3A_95 = arith.constant 0 : i32
        %dma_wait3A_96 = tpu.memref_slice %arg3[%add3A_22, %dma_wait3A_94, %dma_wait3A_95] : memref<64x40x125xi32, #tpu.memory_space<hbm>> -> memref<1x40x125xi32, #tpu.memory_space<hbm>>
        %dma_wait3A_97 = tpu.memref_squeeze %dma_wait3A_96 : memref<1x40x125xi32, #tpu.memory_space<hbm>> -> memref<40x125xi32, #tpu.memory_space<hbm>>
        tpu.wait_dma2 semaphore(%run_scoped3A : memref<!tpu.dma_semaphore, #tpu.memory_space<semaphore_mem>>) src(%dma_wait3A_97 : memref<40x125xi32, #tpu.memory_space<hbm>>) dst(%arg7 : memref<40x125xi32, #tpu.memory_space<vmem>>)
        tpu.yield
      }) : () -> ()
      "tpu.region"() ({
        %run_scoped3A = tpu.sem_alloc : memref<!tpu.dma_semaphore, #tpu.memory_space<semaphore_mem>>
        %dma_start3A_82 = arith.constant 0 : i32
        %dma_start3A_83 = arith.constant 0 : i32
        %dma_start3A_84 = tpu.memref_slice %arg4[%add3A_22, %dma_start3A_82, %dma_start3A_83] : memref<64x40x125xi32, #tpu.memory_space<hbm>> -> memref<1x40x125xi32, #tpu.memory_space<hbm>>
        %dma_start3A_85 = tpu.memref_squeeze %dma_start3A_84 : memref<1x40x125xi32, #tpu.memory_space<hbm>> -> memref<40x125xi32, #tpu.memory_space<hbm>>
        %dma_start3A_86 = arith.constant 0 : i32
        %dma_start3A_87 = arith.constant 0 : i32
        %dma_start3A_88 = tpu.memref_slice %arg4[%add3A_22, %dma_start3A_86, %dma_start3A_87] : memref<64x40x125xi32, #tpu.memory_space<hbm>> -> memref<1x40x125xi32, #tpu.memory_space<hbm>>
        %dma_start3A_89 = tpu.memref_squeeze %dma_start3A_88 : memref<1x40x125xi32, #tpu.memory_space<hbm>> -> memref<40x125xi32, #tpu.memory_space<hbm>>
        tpu.enqueue_dma source(%dma_start3A_89 : memref<40x125xi32, #tpu.memory_space<hbm>>) target(%arg8 : memref<40x125xi32, #tpu.memory_space<vmem>>) target_semaphore(%run_scoped3A : memref<!tpu.dma_semaphore, #tpu.memory_space<semaphore_mem>>)
        %dma_wait3A_90 = arith.constant 0 : i32
        %dma_wait3A_91 = arith.constant 0 : i32
        %dma_wait3A_92 = tpu.memref_slice %arg4[%add3A_22, %dma_wait3A_90, %dma_wait3A_91] : memref<64x40x125xi32, #tpu.memory_space<hbm>> -> memref<1x40x125xi32, #tpu.memory_space<hbm>>
        %dma_wait3A_93 = tpu.memref_squeeze %dma_wait3A_92 : memref<1x40x125xi32, #tpu.memory_space<hbm>> -> memref<40x125xi32, #tpu.memory_space<hbm>>
        %dma_wait3A_94 = arith.constant 0 : i32
        %dma_wait3A_95 = arith.constant 0 : i32
        %dma_wait3A_96 = tpu.memref_slice %arg4[%add3A_22, %dma_wait3A_94, %dma_wait3A_95] : memref<64x40x125xi32, #tpu.memory_space<hbm>> -> memref<1x40x125xi32, #tpu.memory_space<hbm>>
        %dma_wait3A_97 = tpu.memref_squeeze %dma_wait3A_96 : memref<1x40x125xi32, #tpu.memory_space<hbm>> -> memref<40x125xi32, #tpu.memory_space<hbm>>
        tpu.wait_dma2 semaphore(%run_scoped3A : memref<!tpu.dma_semaphore, #tpu.memory_space<semaphore_mem>>) src(%dma_wait3A_97 : memref<40x125xi32, #tpu.memory_space<hbm>>) dst(%arg8 : memref<40x125xi32, #tpu.memory_space<vmem>>)
        tpu.yield
      }) : () -> ()
      %dma_start3A = arith.constant 0 : i32
      %dma_start3A_23 = arith.constant 0 : i32
      %dma_start3A_24 = tpu.memref_slice %arg7[%dma_start3A, %dma_start3A_23] : memref<40x125xi32, #tpu.memory_space<vmem>> -> memref<1x125xi32, #tpu.memory_space<vmem>>
      %dma_start3A_25 = tpu.memref_squeeze %dma_start3A_24 : memref<1x125xi32, #tpu.memory_space<vmem>> -> memref<125xi32, #tpu.memory_space<vmem>>
      %dma_start3A_26 = arith.constant 0 : i32
      %dma_start3A_27 = arith.constant 0 : i32
      %dma_start3A_28 = tpu.memref_slice %arg2[%dma_start3A_26, %dma_start3A_27] : memref<270000x128xf32, #tpu.memory_space<hbm>> -> memref<270000x128xf32, #tpu.memory_space<hbm>>
      tpu.enqueue_indirect_dma source(%dma_start3A_28 : memref<270000x128xf32, #tpu.memory_space<hbm>>) target(%arg9 : memref<125x128xf32, #tpu.memory_space<vmem>>) offsets(%dma_start3A_25 : memref<125xi32, #tpu.memory_space<vmem>>) semaphore(%arg12 : memref<!tpu.dma_semaphore, #tpu.memory_space<semaphore_mem>>)
      %dma_wait3A = arith.constant 0 : i32
      %dma_wait3A_29 = arith.constant 0 : i32
      %dma_wait3A_30 = tpu.memref_slice %arg7[%dma_wait3A, %dma_wait3A_29] : memref<40x125xi32, #tpu.memory_space<vmem>> -> memref<1x125xi32, #tpu.memory_space<vmem>>
      %dma_wait3A_31 = tpu.memref_squeeze %dma_wait3A_30 : memref<1x125xi32, #tpu.memory_space<vmem>> -> memref<125xi32, #tpu.memory_space<vmem>>
      %dma_wait3A_32 = arith.constant 0 : i32
      %dma_wait3A_33 = arith.constant 0 : i32
      %dma_wait3A_34 = tpu.memref_slice %arg2[%dma_wait3A_32, %dma_wait3A_33] : memref<270000x128xf32, #tpu.memory_space<hbm>> -> memref<270000x128xf32, #tpu.memory_space<hbm>>
      tpu.wait_indirect_dma semaphore(%arg12 : memref<!tpu.dma_semaphore, #tpu.memory_space<semaphore_mem>>) src(%dma_wait3A_34 : memref<270000x128xf32, #tpu.memory_space<hbm>>) dst(%arg9 : memref<125x128xf32, #tpu.memory_space<vmem>>)
      %scan3A_35 = arith.constant 0 : i32
      %scan3A_36 = arith.constant 19 : i32
      %scan3A_37 = arith.addi %scan3A_35, %scan3A_36 : i32
      %scan3A_38 = arith.constant 1 : i32
      scf.for %scan3A_82 = %scan3A_35 to %scan3A_37 step %scan3A_38  : i32 {
        %mul3A_83 = arith.constant 1 : i32
        %mul3A_84 = arith.muli %scan3A_82, %mul3A_83 : i32
        %add3A_85 = arith.constant 0 : i32
        %add3A_86 = arith.addi %add3A_85, %mul3A_84 : i32
        %mul3A_87 = arith.constant 2 : i32
        %mul3A_88 = arith.muli %mul3A_87, %add3A_86 : i32
        %dma_start3A_89 = arith.constant 0 : i32
        %dma_start3A_90 = tpu.memref_slice %arg8[%mul3A_88, %dma_start3A_89] : memref<40x125xi32, #tpu.memory_space<vmem>> -> memref<1x125xi32, #tpu.memory_space<vmem>>
        %dma_start3A_91 = tpu.memref_squeeze %dma_start3A_90 : memref<1x125xi32, #tpu.memory_space<vmem>> -> memref<125xi32, #tpu.memory_space<vmem>>
        %dma_start3A_92 = arith.constant 0 : i32
        %dma_start3A_93 = arith.constant 0 : i32
        %dma_start3A_94 = tpu.memref_slice %arg11[%dma_start3A_92, %dma_start3A_93] : memref<10000x128xf32, #tpu.memory_space<vmem_shared>> -> memref<10000x128xf32, #tpu.memory_space<vmem_shared>>
        tpu.enqueue_indirect_dma source(%arg9 : memref<125x128xf32, #tpu.memory_space<vmem>>) target(%dma_start3A_94 : memref<10000x128xf32, #tpu.memory_space<vmem_shared>>) offsets(%dma_start3A_91 : memref<125xi32, #tpu.memory_space<vmem>>) semaphore(%arg13 : memref<!tpu.dma_semaphore, #tpu.memory_space<semaphore_mem>>) {add = true}
        %add3A_95 = arith.constant 1 : i32
        %add3A_96 = arith.addi %mul3A_88, %add3A_95 : i32
        %dma_start3A_97 = arith.constant 0 : i32
        %dma_start3A_98 = tpu.memref_slice %arg7[%add3A_96, %dma_start3A_97] : memref<40x125xi32, #tpu.memory_space<vmem>> -> memref<1x125xi32, #tpu.memory_space<vmem>>
        %dma_start3A_99 = tpu.memref_squeeze %dma_start3A_98 : memref<1x125xi32, #tpu.memory_space<vmem>> -> memref<125xi32, #tpu.memory_space<vmem>>
        %dma_start3A_100 = arith.constant 0 : i32
        %dma_start3A_101 = arith.constant 0 : i32
        %dma_start3A_102 = tpu.memref_slice %arg2[%dma_start3A_100, %dma_start3A_101] : memref<270000x128xf32, #tpu.memory_space<hbm>> -> memref<270000x128xf32, #tpu.memory_space<hbm>>
        tpu.enqueue_indirect_dma source(%dma_start3A_102 : memref<270000x128xf32, #tpu.memory_space<hbm>>) target(%arg10 : memref<125x128xf32, #tpu.memory_space<vmem>>) offsets(%dma_start3A_99 : memref<125xi32, #tpu.memory_space<vmem>>) semaphore(%arg12 : memref<!tpu.dma_semaphore, #tpu.memory_space<semaphore_mem>>)
        %dma_wait3A_103 = arith.constant 0 : i32
        %dma_wait3A_104 = tpu.memref_slice %arg7[%add3A_96, %dma_wait3A_103] : memref<40x125xi32, #tpu.memory_space<vmem>> -> memref<1x125xi32, #tpu.memory_space<vmem>>
        %dma_wait3A_105 = tpu.memref_squeeze %dma_wait3A_104 : memref<1x125xi32, #tpu.memory_space<vmem>> -> memref<125xi32, #tpu.memory_space<vmem>>
        %dma_wait3A_106 = arith.constant 0 : i32
        %dma_wait3A_107 = arith.constant 0 : i32
        %dma_wait3A_108 = tpu.memref_slice %arg2[%dma_wait3A_106, %dma_wait3A_107] : memref<270000x128xf32, #tpu.memory_space<hbm>> -> memref<270000x128xf32, #tpu.memory_space<hbm>>
        tpu.wait_indirect_dma semaphore(%arg12 : memref<!tpu.dma_semaphore, #tpu.memory_space<semaphore_mem>>) src(%dma_wait3A_108 : memref<270000x128xf32, #tpu.memory_space<hbm>>) dst(%arg10 : memref<125x128xf32, #tpu.memory_space<vmem>>)
        %dma_wait3A_109 = arith.constant 0 : i32
        %dma_wait3A_110 = tpu.memref_slice %arg8[%mul3A_88, %dma_wait3A_109] : memref<40x125xi32, #tpu.memory_space<vmem>> -> memref<1x125xi32, #tpu.memory_space<vmem>>
        %dma_wait3A_111 = tpu.memref_squeeze %dma_wait3A_110 : memref<1x125xi32, #tpu.memory_space<vmem>> -> memref<125xi32, #tpu.memory_space<vmem>>
        %dma_wait3A_112 = arith.constant 0 : i32
        %dma_wait3A_113 = arith.constant 0 : i32
        %dma_wait3A_114 = tpu.memref_slice %arg11[%dma_wait3A_112, %dma_wait3A_113] : memref<10000x128xf32, #tpu.memory_space<vmem_shared>> -> memref<10000x128xf32, #tpu.memory_space<vmem_shared>>
        tpu.wait_indirect_dma semaphore(%arg13 : memref<!tpu.dma_semaphore, #tpu.memory_space<semaphore_mem>>) src(%arg9 : memref<125x128xf32, #tpu.memory_space<vmem>>) dst(%dma_wait3A_114 : memref<10000x128xf32, #tpu.memory_space<vmem_shared>>)
        %add3A_115 = arith.constant 1 : i32
        %add3A_116 = arith.addi %mul3A_88, %add3A_115 : i32
        %dma_start3A_117 = arith.constant 0 : i32
        %dma_start3A_118 = tpu.memref_slice %arg8[%add3A_116, %dma_start3A_117] : memref<40x125xi32, #tpu.memory_space<vmem>> -> memref<1x125xi32, #tpu.memory_space<vmem>>
        %dma_start3A_119 = tpu.memref_squeeze %dma_start3A_118 : memref<1x125xi32, #tpu.memory_space<vmem>> -> memref<125xi32, #tpu.memory_space<vmem>>
        %dma_start3A_120 = arith.constant 0 : i32
        %dma_start3A_121 = arith.constant 0 : i32
        %dma_start3A_122 = tpu.memref_slice %arg11[%dma_start3A_120, %dma_start3A_121] : memref<10000x128xf32, #tpu.memory_space<vmem_shared>> -> memref<10000x128xf32, #tpu.memory_space<vmem_shared>>
        tpu.enqueue_indirect_dma source(%arg10 : memref<125x128xf32, #tpu.memory_space<vmem>>) target(%dma_start3A_122 : memref<10000x128xf32, #tpu.memory_space<vmem_shared>>) offsets(%dma_start3A_119 : memref<125xi32, #tpu.memory_space<vmem>>) semaphore(%arg13 : memref<!tpu.dma_semaphore, #tpu.memory_space<semaphore_mem>>) {add = true}
        %add3A_123 = arith.constant 2 : i32
        %add3A_124 = arith.addi %mul3A_88, %add3A_123 : i32
        %dma_start3A_125 = arith.constant 0 : i32
        %dma_start3A_126 = tpu.memref_slice %arg7[%add3A_124, %dma_start3A_125] : memref<40x125xi32, #tpu.memory_space<vmem>> -> memref<1x125xi32, #tpu.memory_space<vmem>>
        %dma_start3A_127 = tpu.memref_squeeze %dma_start3A_126 : memref<1x125xi32, #tpu.memory_space<vmem>> -> memref<125xi32, #tpu.memory_space<vmem>>
        %dma_start3A_128 = arith.constant 0 : i32
        %dma_start3A_129 = arith.constant 0 : i32
        %dma_start3A_130 = tpu.memref_slice %arg2[%dma_start3A_128, %dma_start3A_129] : memref<270000x128xf32, #tpu.memory_space<hbm>> -> memref<270000x128xf32, #tpu.memory_space<hbm>>
        tpu.enqueue_indirect_dma source(%dma_start3A_130 : memref<270000x128xf32, #tpu.memory_space<hbm>>) target(%arg9 : memref<125x128xf32, #tpu.memory_space<vmem>>) offsets(%dma_start3A_127 : memref<125xi32, #tpu.memory_space<vmem>>) semaphore(%arg12 : memref<!tpu.dma_semaphore, #tpu.memory_space<semaphore_mem>>)
        %dma_wait3A_131 = arith.constant 0 : i32
        %dma_wait3A_132 = tpu.memref_slice %arg7[%add3A_124, %dma_wait3A_131] : memref<40x125xi32, #tpu.memory_space<vmem>> -> memref<1x125xi32, #tpu.memory_space<vmem>>
        %dma_wait3A_133 = tpu.memref_squeeze %dma_wait3A_132 : memref<1x125xi32, #tpu.memory_space<vmem>> -> memref<125xi32, #tpu.memory_space<vmem>>
        %dma_wait3A_134 = arith.constant 0 : i32
        %dma_wait3A_135 = arith.constant 0 : i32
        %dma_wait3A_136 = tpu.memref_slice %arg2[%dma_wait3A_134, %dma_wait3A_135] : memref<270000x128xf32, #tpu.memory_space<hbm>> -> memref<270000x128xf32, #tpu.memory_space<hbm>>
        tpu.wait_indirect_dma semaphore(%arg12 : memref<!tpu.dma_semaphore, #tpu.memory_space<semaphore_mem>>) src(%dma_wait3A_136 : memref<270000x128xf32, #tpu.memory_space<hbm>>) dst(%arg9 : memref<125x128xf32, #tpu.memory_space<vmem>>)
        %dma_wait3A_137 = arith.constant 0 : i32
        %dma_wait3A_138 = tpu.memref_slice %arg8[%add3A_116, %dma_wait3A_137] : memref<40x125xi32, #tpu.memory_space<vmem>> -> memref<1x125xi32, #tpu.memory_space<vmem>>
        %dma_wait3A_139 = tpu.memref_squeeze %dma_wait3A_138 : memref<1x125xi32, #tpu.memory_space<vmem>> -> memref<125xi32, #tpu.memory_space<vmem>>
        %dma_wait3A_140 = arith.constant 0 : i32
        %dma_wait3A_141 = arith.constant 0 : i32
        %dma_wait3A_142 = tpu.memref_slice %arg11[%dma_wait3A_140, %dma_wait3A_141] : memref<10000x128xf32, #tpu.memory_space<vmem_shared>> -> memref<10000x128xf32, #tpu.memory_space<vmem_shared>>
        tpu.wait_indirect_dma semaphore(%arg13 : memref<!tpu.dma_semaphore, #tpu.memory_space<semaphore_mem>>) src(%arg10 : memref<125x128xf32, #tpu.memory_space<vmem>>) dst(%dma_wait3A_142 : memref<10000x128xf32, #tpu.memory_space<vmem_shared>>)
      }
      %scan3A_39 = arith.constant 19 : i32
      %dma_start3A_40 = arith.constant 38 : i32
      %dma_start3A_41 = arith.constant 0 : i32
      %dma_start3A_42 = tpu.memref_slice %arg8[%dma_start3A_40, %dma_start3A_41] : memref<40x125xi32, #tpu.memory_space<vmem>> -> memref<1x125xi32, #tpu.memory_space<vmem>>
      %dma_start3A_43 = tpu.memref_squeeze %dma_start3A_42 : memref<1x125xi32, #tpu.memory_space<vmem>> -> memref<125xi32, #tpu.memory_space<vmem>>
      %dma_start3A_44 = arith.constant 0 : i32
      %dma_start3A_45 = arith.constant 0 : i32
      %dma_start3A_46 = tpu.memref_slice %arg11[%dma_start3A_44, %dma_start3A_45] : memref<10000x128xf32, #tpu.memory_space<vmem_shared>> -> memref<10000x128xf32, #tpu.memory_space<vmem_shared>>
      tpu.enqueue_indirect_dma source(%arg9 : memref<125x128xf32, #tpu.memory_space<vmem>>) target(%dma_start3A_46 : memref<10000x128xf32, #tpu.memory_space<vmem_shared>>) offsets(%dma_start3A_43 : memref<125xi32, #tpu.memory_space<vmem>>) semaphore(%arg13 : memref<!tpu.dma_semaphore, #tpu.memory_space<semaphore_mem>>) {add = true}
      %dma_start3A_47 = arith.constant 39 : i32
      %dma_start3A_48 = arith.constant 0 : i32
      %dma_start3A_49 = tpu.memref_slice %arg7[%dma_start3A_47, %dma_start3A_48] : memref<40x125xi32, #tpu.memory_space<vmem>> -> memref<1x125xi32, #tpu.memory_space<vmem>>
      %dma_start3A_50 = tpu.memref_squeeze %dma_start3A_49 : memref<1x125xi32, #tpu.memory_space<vmem>> -> memref<125xi32, #tpu.memory_space<vmem>>
      %dma_start3A_51 = arith.constant 0 : i32
      %dma_start3A_52 = arith.constant 0 : i32
      %dma_start3A_53 = tpu.memref_slice %arg2[%dma_start3A_51, %dma_start3A_52] : memref<270000x128xf32, #tpu.memory_space<hbm>> -> memref<270000x128xf32, #tpu.memory_space<hbm>>
      tpu.enqueue_indirect_dma source(%dma_start3A_53 : memref<270000x128xf32, #tpu.memory_space<hbm>>) target(%arg10 : memref<125x128xf32, #tpu.memory_space<vmem>>) offsets(%dma_start3A_50 : memref<125xi32, #tpu.memory_space<vmem>>) semaphore(%arg12 : memref<!tpu.dma_semaphore, #tpu.memory_space<semaphore_mem>>)
      %dma_wait3A_54 = arith.constant 39 : i32
      %dma_wait3A_55 = arith.constant 0 : i32
      %dma_wait3A_56 = tpu.memref_slice %arg7[%dma_wait3A_54, %dma_wait3A_55] : memref<40x125xi32, #tpu.memory_space<vmem>> -> memref<1x125xi32, #tpu.memory_space<vmem>>
      %dma_wait3A_57 = tpu.memref_squeeze %dma_wait3A_56 : memref<1x125xi32, #tpu.memory_space<vmem>> -> memref<125xi32, #tpu.memory_space<vmem>>
      %dma_wait3A_58 = arith.constant 0 : i32
      %dma_wait3A_59 = arith.constant 0 : i32
      %dma_wait3A_60 = tpu.memref_slice %arg2[%dma_wait3A_58, %dma_wait3A_59] : memref<270000x128xf32, #tpu.memory_space<hbm>> -> memref<270000x128xf32, #tpu.memory_space<hbm>>
      tpu.wait_indirect_dma semaphore(%arg12 : memref<!tpu.dma_semaphore, #tpu.memory_space<semaphore_mem>>) src(%dma_wait3A_60 : memref<270000x128xf32, #tpu.memory_space<hbm>>) dst(%arg10 : memref<125x128xf32, #tpu.memory_space<vmem>>)
      %dma_wait3A_61 = arith.constant 38 : i32
      %dma_wait3A_62 = arith.constant 0 : i32
      %dma_wait3A_63 = tpu.memref_slice %arg8[%dma_wait3A_61, %dma_wait3A_62] : memref<40x125xi32, #tpu.memory_space<vmem>> -> memref<1x125xi32, #tpu.memory_space<vmem>>
      %dma_wait3A_64 = tpu.memref_squeeze %dma_wait3A_63 : memref<1x125xi32, #tpu.memory_space<vmem>> -> memref<125xi32, #tpu.memory_space<vmem>>
      %dma_wait3A_65 = arith.constant 0 : i32
      %dma_wait3A_66 = arith.constant 0 : i32
      %dma_wait3A_67 = tpu.memref_slice %arg11[%dma_wait3A_65, %dma_wait3A_66] : memref<10000x128xf32, #tpu.memory_space<vmem_shared>> -> memref<10000x128xf32, #tpu.memory_space<vmem_shared>>
      tpu.wait_indirect_dma semaphore(%arg13 : memref<!tpu.dma_semaphore, #tpu.memory_space<semaphore_mem>>) src(%arg9 : memref<125x128xf32, #tpu.memory_space<vmem>>) dst(%dma_wait3A_67 : memref<10000x128xf32, #tpu.memory_space<vmem_shared>>)
      %dma_start3A_68 = arith.constant 39 : i32
      %dma_start3A_69 = arith.constant 0 : i32
      %dma_start3A_70 = tpu.memref_slice %arg8[%dma_start3A_68, %dma_start3A_69] : memref<40x125xi32, #tpu.memory_space<vmem>> -> memref<1x125xi32, #tpu.memory_space<vmem>>
      %dma_start3A_71 = tpu.memref_squeeze %dma_start3A_70 : memref<1x125xi32, #tpu.memory_space<vmem>> -> memref<125xi32, #tpu.memory_space<vmem>>
      %dma_start3A_72 = arith.constant 0 : i32
      %dma_start3A_73 = arith.constant 0 : i32
      %dma_start3A_74 = tpu.memref_slice %arg11[%dma_start3A_72, %dma_start3A_73] : memref<10000x128xf32, #tpu.memory_space<vmem_shared>> -> memref<10000x128xf32, #tpu.memory_space<vmem_shared>>
      tpu.enqueue_indirect_dma source(%arg10 : memref<125x128xf32, #tpu.memory_space<vmem>>) target(%dma_start3A_74 : memref<10000x128xf32, #tpu.memory_space<vmem_shared>>) offsets(%dma_start3A_71 : memref<125xi32, #tpu.memory_space<vmem>>) semaphore(%arg13 : memref<!tpu.dma_semaphore, #tpu.memory_space<semaphore_mem>>) {add = true}
      %dma_wait3A_75 = arith.constant 39 : i32
      %dma_wait3A_76 = arith.constant 0 : i32
      %dma_wait3A_77 = tpu.memref_slice %arg8[%dma_wait3A_75, %dma_wait3A_76] : memref<40x125xi32, #tpu.memory_space<vmem>> -> memref<1x125xi32, #tpu.memory_space<vmem>>
      %dma_wait3A_78 = tpu.memref_squeeze %dma_wait3A_77 : memref<1x125xi32, #tpu.memory_space<vmem>> -> memref<125xi32, #tpu.memory_space<vmem>>
      %dma_wait3A_79 = arith.constant 0 : i32
      %dma_wait3A_80 = arith.constant 0 : i32
      %dma_wait3A_81 = tpu.memref_slice %arg11[%dma_wait3A_79, %dma_wait3A_80] : memref<10000x128xf32, #tpu.memory_space<vmem_shared>> -> memref<10000x128xf32, #tpu.memory_space<vmem_shared>>
      tpu.wait_indirect_dma semaphore(%arg13 : memref<!tpu.dma_semaphore, #tpu.memory_space<semaphore_mem>>) src(%arg10 : memref<125x128xf32, #tpu.memory_space<vmem>>) dst(%dma_wait3A_81 : memref<10000x128xf32, #tpu.memory_space<vmem_shared>>)
    }
    %scan3A_8 = arith.constant 2 : i32
    %barrier3A_9 = arith.constant 0 : index
    tpu.barrier barrier_id(%barrier3A_9)
    "tpu.region"() ({
      %run_scoped3A = tpu.sem_alloc : memref<!tpu.dma_semaphore, #tpu.memory_space<semaphore_mem>>
      %dma_start3A = arith.constant 0 : i32
      %dma_start3A_15 = tpu.memref_slice %arg6[%arg0, %mul3A_2, %dma_start3A] : memref<2x10000x128xf32, #tpu.memory_space<hbm>> -> memref<1x624x128xf32, #tpu.memory_space<hbm>>
      %dma_start3A_16 = tpu.memref_squeeze %dma_start3A_15 : memref<1x624x128xf32, #tpu.memory_space<hbm>> -> memref<624x128xf32, #tpu.memory_space<hbm>>
      %dma_start3A_17 = arith.constant 0 : i32
      %dma_start3A_18 = tpu.memref_slice %arg11[%mul3A_2, %dma_start3A_17] : memref<10000x128xf32, #tpu.memory_space<vmem_shared>> -> memref<624x128xf32, #tpu.memory_space<vmem_shared>>
      tpu.enqueue_dma source(%dma_start3A_18 : memref<624x128xf32, #tpu.memory_space<vmem_shared>>) target(%dma_start3A_16 : memref<624x128xf32, #tpu.memory_space<hbm>>) target_semaphore(%run_scoped3A : memref<!tpu.dma_semaphore, #tpu.memory_space<semaphore_mem>>)
      %dma_wait3A = arith.constant 0 : i32
      %dma_wait3A_19 = tpu.memref_slice %arg6[%arg0, %mul3A_2, %dma_wait3A] : memref<2x10000x128xf32, #tpu.memory_space<hbm>> -> memref<1x624x128xf32, #tpu.memory_space<hbm>>
      %dma_wait3A_20 = tpu.memref_squeeze %dma_wait3A_19 : memref<1x624x128xf32, #tpu.memory_space<hbm>> -> memref<624x128xf32, #tpu.memory_space<hbm>>
      %dma_wait3A_21 = arith.constant 0 : i32
      %dma_wait3A_22 = tpu.memref_slice %arg11[%mul3A_2, %dma_wait3A_21] : memref<10000x128xf32, #tpu.memory_space<vmem_shared>> -> memref<624x128xf32, #tpu.memory_space<vmem_shared>>
      tpu.wait_dma2 semaphore(%run_scoped3A : memref<!tpu.dma_semaphore, #tpu.memory_space<semaphore_mem>>) src(%dma_wait3A_22 : memref<624x128xf32, #tpu.memory_space<vmem_shared>>) dst(%dma_wait3A_20 : memref<624x128xf32, #tpu.memory_space<hbm>>)
      tpu.yield
    }) : () -> ()
    %eq3A_10 = arith.constant 0 : i32
    %eq3A_11 = arith.cmpi eq, %arg1, %eq3A_10 : i32
    %convert_element_type3A_12 = arith.extui %eq3A_11 : i1 to i32
    %cond3A_13 = arith.constant 0 : i32
    %cond3A_14 = arith.cmpi ne, %convert_element_type3A_12, %cond3A_13 : i32
    scf.if %cond3A_14 {
      "tpu.region"() ({
        %run_scoped3A = tpu.sem_alloc : memref<!tpu.dma_semaphore, #tpu.memory_space<semaphore_mem>>
        %dma_start3A = arith.constant 9984 : i32
        %dma_start3A_15 = arith.constant 0 : i32
        %dma_start3A_16 = tpu.memref_slice %arg6[%arg0, %dma_start3A, %dma_start3A_15] : memref<2x10000x128xf32, #tpu.memory_space<hbm>> -> memref<1x16x128xf32, #tpu.memory_space<hbm>>
        %dma_start3A_17 = tpu.memref_squeeze %dma_start3A_16 : memref<1x16x128xf32, #tpu.memory_space<hbm>> -> memref<16x128xf32, #tpu.memory_space<hbm>>
        %dma_start3A_18 = arith.constant 9984 : i32
        %dma_start3A_19 = arith.constant 0 : i32
        %dma_start3A_20 = tpu.memref_slice %arg11[%dma_start3A_18, %dma_start3A_19] : memref<10000x128xf32, #tpu.memory_space<vmem_shared>> -> memref<16x128xf32, #tpu.memory_space<vmem_shared>>
        tpu.enqueue_dma source(%dma_start3A_20 : memref<16x128xf32, #tpu.memory_space<vmem_shared>>) target(%dma_start3A_17 : memref<16x128xf32, #tpu.memory_space<hbm>>) target_semaphore(%run_scoped3A : memref<!tpu.dma_semaphore, #tpu.memory_space<semaphore_mem>>)
        %dma_wait3A = arith.constant 9984 : i32
        %dma_wait3A_21 = arith.constant 0 : i32
        %dma_wait3A_22 = tpu.memref_slice %arg6[%arg0, %dma_wait3A, %dma_wait3A_21] : memref<2x10000x128xf32, #tpu.memory_space<hbm>> -> memref<1x16x128xf32, #tpu.memory_space<hbm>>
        %dma_wait3A_23 = tpu.memref_squeeze %dma_wait3A_22 : memref<1x16x128xf32, #tpu.memory_space<hbm>> -> memref<16x128xf32, #tpu.memory_space<hbm>>
        %dma_wait3A_24 = arith.constant 9984 : i32
        %dma_wait3A_25 = arith.constant 0 : i32
        %dma_wait3A_26 = tpu.memref_slice %arg11[%dma_wait3A_24, %dma_wait3A_25] : memref<10000x128xf32, #tpu.memory_space<vmem_shared>> -> memref<16x128xf32, #tpu.memory_space<vmem_shared>>
        tpu.wait_dma2 semaphore(%run_scoped3A : memref<!tpu.dma_semaphore, #tpu.memory_space<semaphore_mem>>) src(%dma_wait3A_26 : memref<16x128xf32, #tpu.memory_space<vmem_shared>>) dst(%dma_wait3A_23 : memref<16x128xf32, #tpu.memory_space<hbm>>)
        tpu.yield
      }) : () -> ()
    } else {
    }
    return
  }
}

module attributes {stable_mosaic.version = 14 : i64} {
  func.func @_fidx_body(%arg0: memref<2500x128xi32, #tpu.memory_space<vmem>>, %arg1: memref<2500x128xi32, #tpu.memory_space<vmem>>, %arg2: memref<2500x128xi32, #tpu.memory_space<vmem>>) attributes {dimension_semantics = [], scalar_prefetch = 0 : i64, scratch_operands = 0 : i64, tpu.core_type = #tpu.core_type<tc>} {
    %get3A = arith.constant 0 : index
    %get3A_0 = arith.constant 0 : index
    %get3A_1 = vector.load %arg0[%get3A, %get3A_0] : memref<2500x128xi32, #tpu.memory_space<vmem>>, vector<2500x128xi32>
    %mul3A = arith.constant 10000 : i32
    %mul3A_2 = vector.broadcast %mul3A : i32 to vector<2500x128xi32>
    %mul3A_3 = arith.muli %get3A_1, %mul3A_2 : vector<2500x128xi32>
    %get3A_4 = arith.constant 0 : index
    %get3A_5 = arith.constant 0 : index
    %get3A_6 = vector.load %arg1[%get3A_4, %get3A_5] : memref<2500x128xi32, #tpu.memory_space<vmem>>, vector<2500x128xi32>
    %add3A = arith.addi %mul3A_3, %get3A_6 : vector<2500x128xi32>
    %swap3A = arith.constant 0 : index
    %swap3A_7 = arith.constant 0 : index
    %swap3A_8 = vector.load %arg2[%swap3A, %swap3A_7] : memref<2500x128xi32, #tpu.memory_space<vmem>>, vector<2500x128xi32>
    tpu.vector_store %arg2[%swap3A, %swap3A_7], %add3A {strides = array<i32>} : memref<2500x128xi32, #tpu.memory_space<vmem>>, vector<2500x128xi32>,
    return
  }
}

module attributes {stable_mosaic.version = 14 : i64} {
  func.func @_mm_body(%arg0: i32, %arg1: i32, %arg2: memref<10000x128xf32, #tpu.memory_space<vmem>>, %arg3: memref<1x128x128xf32, #tpu.memory_space<vmem>>, %arg4: memref<1x10000x128xf32, #tpu.memory_space<vmem>>) attributes {dimension_semantics = [#tpu.dimension_semantics<arbitrary>, #tpu.dimension_semantics<arbitrary>], iteration_bounds = array<i64: 1, 27>, scalar_prefetch = 0 : i64, scratch_operands = 0 : i64, tpu.core_type = #tpu.core_type<tc>, window_params = [{transform_indices = @transform_0, window_bounds = array<i64: 10000, 128>}, {transform_indices = @transform_1, window_bounds = array<i64: 1, 128, 128>}, {transform_indices = @transform_2, window_bounds = array<i64: 1, 10000, 128>}]} {
    %get3A = arith.constant 0 : index
    %get3A_0 = arith.constant 0 : index
    %get3A_1 = vector.load %arg2[%get3A, %get3A_0] : memref<10000x128xf32, #tpu.memory_space<vmem>>, vector<10000x128xf32>
    %get3A_2 = arith.constant 0 : index
    %get3A_3 = arith.constant 0 : index
    %get3A_4 = arith.constant 0 : index
    %get3A_5 = vector.load %arg3[%get3A_2, %get3A_3, %get3A_4] : memref<1x128x128xf32, #tpu.memory_space<vmem>>, vector<1x128x128xf32>
    %get3A_6 = vector.shape_cast %get3A_5 : vector<1x128x128xf32> to vector<128x128xf32>
    %dot_general3A = arith.constant dense<0.000000e+00> : vector<10000x128xf32>
    %dot_general3A_7 = tpu.matmul %get3A_1, %get3A_6, %dot_general3A {dimension_numbers = #tpu.dot_dimension_numbers<[1], [0], [0], [1], [0, 0, 1, 1], [], []>, transpose_lhs_hint = false} : vector<10000x128xf32>, vector<128x128xf32>, vector<10000x128xf32> -> vector<10000x128xf32>
    %swap3A = arith.constant 0 : index
    %swap3A_8 = arith.constant 0 : index
    %swap3A_9 = arith.constant 0 : index
    %swap3A_10 = vector.load %arg4[%swap3A, %swap3A_8, %swap3A_9] : memref<1x10000x128xf32, #tpu.memory_space<vmem>>, vector<1x10000x128xf32>
    %swap3A_11 = vector.shape_cast %swap3A_10 : vector<1x10000x128xf32> to vector<10000x128xf32>
    %swap3A_12 = vector.shape_cast %dot_general3A_7 : vector<10000x128xf32> to vector<1x10000x128xf32>
    tpu.vector_store %arg4[%swap3A, %swap3A_8, %swap3A_9], %swap3A_12 {strides = array<i32>} : memref<1x10000x128xf32, #tpu.memory_space<vmem>>, vector<1x10000x128xf32>,
    return
  }
  func.func @transform_0(%arg0: i32, %arg1: i32) -> (i32, i32) {
    %c0_i32 = arith.constant 0 : i32
    %c0_i32_0 = arith.constant 0 : i32
    return %arg0, %c0_i32 : i32, i32
  }
  func.func @transform_1(%arg0: i32, %arg1: i32) -> (i32, i32, i32) {
    %c0_i32 = arith.constant 0 : i32
    %c0_i32_0 = arith.constant 0 : i32
    %c0_i32_1 = arith.constant 0 : i32
    return %arg1, %c0_i32, %c0_i32_0 : i32, i32, i32
  }
  func.func @transform_2(%arg0: i32, %arg1: i32) -> (i32, i32, i32) {
    %c0_i32 = arith.constant 0 : i32
    %c0_i32_0 = arith.constant 0 : i32
    return %arg1, %arg0, %c0_i32 : i32, i32, i32
  }
}

module attributes {stable_mosaic.version = 14 : i64} {
  func.func @_norm_mm_body(%arg0: i32, %arg1: i32, %arg2: memref<2x10000x128xf32, #tpu.memory_space<vmem>>, %arg3: memref<1x128xf32, #tpu.memory_space<vmem>>, %arg4: memref<1x128xf32, #tpu.memory_space<vmem>>, %arg5: memref<1x128x128xf32, #tpu.memory_space<vmem>>, %arg6: memref<1x10000x128xf32, #tpu.memory_space<vmem>>, %arg7: memref<10000x128xf32, #tpu.memory_space<vmem>>) attributes {dimension_semantics = [#tpu.dimension_semantics<arbitrary>, #tpu.dimension_semantics<arbitrary>], iteration_bounds = array<i64: 1, 27>, scalar_prefetch = 0 : i64, scratch_operands = 1 : i64, tpu.core_type = #tpu.core_type<tc>, window_params = [{pipeline_mode = #tpu.pipeline_mode<synchronous>, transform_indices = @transform_0, window_bounds = array<i64: 2, 10000, 128>}, {pipeline_mode = #tpu.pipeline_mode<synchronous>, transform_indices = @transform_1, window_bounds = array<i64: 1, 128>}, {pipeline_mode = #tpu.pipeline_mode<synchronous>, transform_indices = @transform_2, window_bounds = array<i64: 1, 128>}, {transform_indices = @transform_3, window_bounds = array<i64: 1, 128, 128>}, {transform_indices = @transform_4, window_bounds = array<i64: 1, 10000, 128>}]} {
    %eq3A = arith.constant 0 : i32
    %eq3A_0 = arith.cmpi eq, %arg0, %eq3A : i32
    %eq3A_1 = arith.constant 0 : i32
    %eq3A_2 = arith.cmpi eq, %arg1, %eq3A_1 : i32
    %and3A = arith.andi %eq3A_0, %eq3A_2 : i1
    %convert_element_type3A = arith.extui %and3A : i1 to i32
    %cond3A = arith.constant 0 : i32
    %cond3A_3 = arith.cmpi ne, %convert_element_type3A, %cond3A : i32
    scf.if %cond3A_3 {
      %get3A_18 = arith.constant 0 : index
      %get3A_19 = arith.constant 0 : index
      %get3A_20 = arith.constant 0 : index
      %get3A_21 = vector.load %arg2[%get3A_18, %get3A_19, %get3A_20] : memref<2x10000x128xf32, #tpu.memory_space<vmem>>, vector<1x10000x128xf32>
      %get3A_22 = vector.shape_cast %get3A_21 : vector<1x10000x128xf32> to vector<10000x128xf32>
      %get3A_23 = arith.constant 1 : index
      %get3A_24 = arith.constant 0 : index
      %get3A_25 = arith.constant 0 : index
      %get3A_26 = vector.load %arg2[%get3A_23, %get3A_24, %get3A_25] : memref<2x10000x128xf32, #tpu.memory_space<vmem>>, vector<1x10000x128xf32>
      %get3A_27 = vector.shape_cast %get3A_26 : vector<1x10000x128xf32> to vector<10000x128xf32>
      %add3A = arith.addf %get3A_22, %get3A_27 : vector<10000x128xf32>
      %reduce_sum3A = arith.constant dense<0.000000e+00> : vector<128xf32>
      %reduce_sum3A_28 = vector.multi_reduction <add>, %add3A, %reduce_sum3A [0] : vector<10000x128xf32> to vector<128xf32>
      %broadcast_in_dim3A = vector.shape_cast %reduce_sum3A_28 : vector<128xf32> to vector<1x128xf32>
      %div3A = arith.constant 1.000000e+04 : f32
      %div3A_29 = vector.broadcast %div3A : f32 to vector<1x128xf32>
      %div3A_30 = arith.divf %broadcast_in_dim3A, %div3A_29 : vector<1x128xf32>
      %sub3A = vector.broadcast %div3A_30 : vector<1x128xf32> to vector<10000x128xf32>
      %sub3A_31 = arith.subf %add3A, %sub3A : vector<10000x128xf32>
      %mul3A_32 = arith.mulf %sub3A_31, %sub3A_31 : vector<10000x128xf32>
      %reduce_sum3A_33 = arith.constant dense<0.000000e+00> : vector<128xf32>
      %reduce_sum3A_34 = vector.multi_reduction <add>, %mul3A_32, %reduce_sum3A_33 [0] : vector<10000x128xf32> to vector<128xf32>
      %broadcast_in_dim3A_35 = vector.shape_cast %reduce_sum3A_34 : vector<128xf32> to vector<1x128xf32>
      %div3A_36 = arith.constant 1.000000e+04 : f32
      %div3A_37 = vector.broadcast %div3A_36 : f32 to vector<1x128xf32>
      %div3A_38 = arith.divf %broadcast_in_dim3A_35, %div3A_37 : vector<1x128xf32>
      %add3A_39 = arith.constant 9.99999974E-6 : f32
      %add3A_40 = vector.broadcast %add3A_39 : f32 to vector<1x128xf32>
      %add3A_41 = arith.addf %div3A_38, %add3A_40 : vector<1x128xf32>
      %rsqrt3A = math.rsqrt %add3A_41 : vector<1x128xf32>
      %mul3A_42 = vector.broadcast %rsqrt3A : vector<1x128xf32> to vector<10000x128xf32>
      %mul3A_43 = arith.mulf %sub3A_31, %mul3A_42 : vector<10000x128xf32>
      %get3A_44 = arith.constant 0 : index
      %get3A_45 = arith.constant 0 : index
      %get3A_46 = vector.load %arg3[%get3A_44, %get3A_45] : memref<1x128xf32, #tpu.memory_space<vmem>>, vector<1x128xf32>
      %mul3A_47 = vector.broadcast %get3A_46 : vector<1x128xf32> to vector<10000x128xf32>
      %mul3A_48 = arith.mulf %mul3A_43, %mul3A_47 : vector<10000x128xf32>
      %get3A_49 = arith.constant 0 : index
      %get3A_50 = arith.constant 0 : index
      %get3A_51 = vector.load %arg4[%get3A_49, %get3A_50] : memref<1x128xf32, #tpu.memory_space<vmem>>, vector<1x128xf32>
      %add3A_52 = vector.broadcast %get3A_51 : vector<1x128xf32> to vector<10000x128xf32>
      %add3A_53 = arith.addf %mul3A_48, %add3A_52 : vector<10000x128xf32>
      %ge3A = arith.constant 0.000000e+00 : f32
      %ge3A_54 = vector.broadcast %ge3A : f32 to vector<10000x128xf32>
      %ge3A_55 = arith.cmpf oge, %add3A_53, %ge3A_54 : vector<10000x128xf32>
      %mul3A_56 = arith.constant 0.00999999977 : f32
      %mul3A_57 = vector.broadcast %mul3A_56 : f32 to vector<10000x128xf32>
      %mul3A_58 = arith.mulf %mul3A_57, %add3A_53 : vector<10000x128xf32>
      %select_n3A = arith.select %ge3A_55, %add3A_53, %mul3A_58 : vector<10000x128xi1>, vector<10000x128xf32>
      %swap3A_59 = arith.constant 0 : index
      %swap3A_60 = arith.constant 0 : index
      %swap3A_61 = vector.load %arg7[%swap3A_59, %swap3A_60] : memref<10000x128xf32, #tpu.memory_space<vmem>>, vector<10000x128xf32>
      tpu.vector_store %arg7[%swap3A_59, %swap3A_60], %select_n3A {strides = array<i32>} : memref<10000x128xf32, #tpu.memory_space<vmem>>, vector<10000x128xf32>,
    } else {
    }
    %mul3A = arith.constant 10000 : i32
    %mul3A_4 = arith.muli %arg0, %mul3A : i32
    %get3A = arith.index_cast %mul3A_4 : i32 to index
    %get3A_5 = arith.constant 0 : index
    %get3A_6 = vector.load %arg7[%get3A, %get3A_5] : memref<10000x128xf32, #tpu.memory_space<vmem>>, vector<10000x128xf32>
    %get3A_7 = arith.constant 0 : index
    %get3A_8 = arith.constant 0 : index
    %get3A_9 = arith.constant 0 : index
    %get3A_10 = vector.load %arg5[%get3A_7, %get3A_8, %get3A_9] : memref<1x128x128xf32, #tpu.memory_space<vmem>>, vector<1x128x128xf32>
    %get3A_11 = vector.shape_cast %get3A_10 : vector<1x128x128xf32> to vector<128x128xf32>
    %dot_general3A = arith.constant dense<0.000000e+00> : vector<10000x128xf32>
    %dot_general3A_12 = tpu.matmul %get3A_6, %get3A_11, %dot_general3A {dimension_numbers = #tpu.dot_dimension_numbers<[1], [0], [0], [1], [0, 0, 1, 1], [], []>, transpose_lhs_hint = false} : vector<10000x128xf32>, vector<128x128xf32>, vector<10000x128xf32> -> vector<10000x128xf32>
    %swap3A = arith.constant 0 : index
    %swap3A_13 = arith.constant 0 : index
    %swap3A_14 = arith.constant 0 : index
    %swap3A_15 = vector.load %arg6[%swap3A, %swap3A_13, %swap3A_14] : memref<1x10000x128xf32, #tpu.memory_space<vmem>>, vector<1x10000x128xf32>
    %swap3A_16 = vector.shape_cast %swap3A_15 : vector<1x10000x128xf32> to vector<10000x128xf32>
    %swap3A_17 = vector.shape_cast %dot_general3A_12 : vector<10000x128xf32> to vector<1x10000x128xf32>
    tpu.vector_store %arg6[%swap3A, %swap3A_13, %swap3A_14], %swap3A_17 {strides = array<i32>} : memref<1x10000x128xf32, #tpu.memory_space<vmem>>, vector<1x10000x128xf32>,
    return
  }
  func.func @transform_0(%arg0: i32, %arg1: i32) -> (i32, i32, i32) {
    %c0_i32 = arith.constant 0 : i32
    %c0_i32_0 = arith.constant 0 : i32
    %c0_i32_1 = arith.constant 0 : i32
    %c0_i32_2 = arith.constant 0 : i32
    return %c0_i32, %c0_i32_0, %c0_i32_1 : i32, i32, i32
  }
  func.func @transform_1(%arg0: i32, %arg1: i32) -> (i32, i32) {
    %c0_i32 = arith.constant 0 : i32
    %c0_i32_0 = arith.constant 0 : i32
    %c0_i32_1 = arith.constant 0 : i32
    return %c0_i32, %c0_i32_0 : i32, i32
  }
  func.func @transform_2(%arg0: i32, %arg1: i32) -> (i32, i32) {
    %c0_i32 = arith.constant 0 : i32
    %c0_i32_0 = arith.constant 0 : i32
    %c0_i32_1 = arith.constant 0 : i32
    return %c0_i32, %c0_i32_0 : i32, i32
  }
  func.func @transform_3(%arg0: i32, %arg1: i32) -> (i32, i32, i32) {
    %c0_i32 = arith.constant 0 : i32
    %c0_i32_0 = arith.constant 0 : i32
    %c0_i32_1 = arith.constant 0 : i32
    return %arg1, %c0_i32, %c0_i32_0 : i32, i32, i32
  }
  func.func @transform_4(%arg0: i32, %arg1: i32) -> (i32, i32, i32) {
    %c0_i32 = arith.constant 0 : i32
    %c0_i32_0 = arith.constant 0 : i32
    return %arg1, %arg0, %c0_i32 : i32, i32, i32
  }
}

module attributes {stable_mosaic.version = 14 : i64} {
  func.func @_norm2_body(%arg0: memref<2x10000x128xf32, #tpu.memory_space<vmem>>, %arg1: memref<1x128xf32, #tpu.memory_space<vmem>>, %arg2: memref<1x128xf32, #tpu.memory_space<vmem>>, %arg3: memref<10000x128xf32, #tpu.memory_space<vmem>>, %arg4: memref<10000x128xf32, #tpu.memory_space<vmem>>) attributes {dimension_semantics = [], scalar_prefetch = 0 : i64, scratch_operands = 0 : i64, tpu.core_type = #tpu.core_type<tc>} {
    %get3A = arith.constant 0 : index
    %get3A_0 = arith.constant 0 : index
    %get3A_1 = arith.constant 0 : index
    %get3A_2 = vector.load %arg0[%get3A, %get3A_0, %get3A_1] : memref<2x10000x128xf32, #tpu.memory_space<vmem>>, vector<1x10000x128xf32>
    %get3A_3 = vector.shape_cast %get3A_2 : vector<1x10000x128xf32> to vector<10000x128xf32>
    %get3A_4 = arith.constant 1 : index
    %get3A_5 = arith.constant 0 : index
    %get3A_6 = arith.constant 0 : index
    %get3A_7 = vector.load %arg0[%get3A_4, %get3A_5, %get3A_6] : memref<2x10000x128xf32, #tpu.memory_space<vmem>>, vector<1x10000x128xf32>
    %get3A_8 = vector.shape_cast %get3A_7 : vector<1x10000x128xf32> to vector<10000x128xf32>
    %add3A = arith.addf %get3A_3, %get3A_8 : vector<10000x128xf32>
    %reduce_sum3A = arith.constant dense<0.000000e+00> : vector<128xf32>
    %reduce_sum3A_9 = vector.multi_reduction <add>, %add3A, %reduce_sum3A [0] : vector<10000x128xf32> to vector<128xf32>
    %broadcast_in_dim3A = vector.shape_cast %reduce_sum3A_9 : vector<128xf32> to vector<1x128xf32>
    %div3A = arith.constant 1.000000e+04 : f32
    %div3A_10 = vector.broadcast %div3A : f32 to vector<1x128xf32>
    %div3A_11 = arith.divf %broadcast_in_dim3A, %div3A_10 : vector<1x128xf32>
    %sub3A = vector.broadcast %div3A_11 : vector<1x128xf32> to vector<10000x128xf32>
    %sub3A_12 = arith.subf %add3A, %sub3A : vector<10000x128xf32>
    %mul3A = arith.mulf %sub3A_12, %sub3A_12 : vector<10000x128xf32>
    %reduce_sum3A_13 = arith.constant dense<0.000000e+00> : vector<128xf32>
    %reduce_sum3A_14 = vector.multi_reduction <add>, %mul3A, %reduce_sum3A_13 [0] : vector<10000x128xf32> to vector<128xf32>
    %broadcast_in_dim3A_15 = vector.shape_cast %reduce_sum3A_14 : vector<128xf32> to vector<1x128xf32>
    %div3A_16 = arith.constant 1.000000e+04 : f32
    %div3A_17 = vector.broadcast %div3A_16 : f32 to vector<1x128xf32>
    %div3A_18 = arith.divf %broadcast_in_dim3A_15, %div3A_17 : vector<1x128xf32>
    %add3A_19 = arith.constant 9.99999974E-6 : f32
    %add3A_20 = vector.broadcast %add3A_19 : f32 to vector<1x128xf32>
    %add3A_21 = arith.addf %div3A_18, %add3A_20 : vector<1x128xf32>
    %rsqrt3A = math.rsqrt %add3A_21 : vector<1x128xf32>
    %mul3A_22 = vector.broadcast %rsqrt3A : vector<1x128xf32> to vector<10000x128xf32>
    %mul3A_23 = arith.mulf %sub3A_12, %mul3A_22 : vector<10000x128xf32>
    %get3A_24 = arith.constant 0 : index
    %get3A_25 = arith.constant 0 : index
    %get3A_26 = vector.load %arg1[%get3A_24, %get3A_25] : memref<1x128xf32, #tpu.memory_space<vmem>>, vector<1x128xf32>
    %mul3A_27 = vector.broadcast %get3A_26 : vector<1x128xf32> to vector<10000x128xf32>
    %mul3A_28 = arith.mulf %mul3A_23, %mul3A_27 : vector<10000x128xf32>
    %get3A_29 = arith.constant 0 : index
    %get3A_30 = arith.constant 0 : index
    %get3A_31 = vector.load %arg2[%get3A_29, %get3A_30] : memref<1x128xf32, #tpu.memory_space<vmem>>, vector<1x128xf32>
    %add3A_32 = vector.broadcast %get3A_31 : vector<1x128xf32> to vector<10000x128xf32>
    %add3A_33 = arith.addf %mul3A_28, %add3A_32 : vector<10000x128xf32>
    %get3A_34 = arith.constant 0 : index
    %get3A_35 = arith.constant 0 : index
    %get3A_36 = vector.load %arg3[%get3A_34, %get3A_35] : memref<10000x128xf32, #tpu.memory_space<vmem>>, vector<10000x128xf32>
    %add3A_37 = arith.addf %add3A_33, %get3A_36 : vector<10000x128xf32>
    %ge3A = arith.constant 0.000000e+00 : f32
    %ge3A_38 = vector.broadcast %ge3A : f32 to vector<10000x128xf32>
    %ge3A_39 = arith.cmpf oge, %add3A_37, %ge3A_38 : vector<10000x128xf32>
    %mul3A_40 = arith.constant 0.00999999977 : f32
    %mul3A_41 = vector.broadcast %mul3A_40 : f32 to vector<10000x128xf32>
    %mul3A_42 = arith.mulf %mul3A_41, %add3A_37 : vector<10000x128xf32>
    %select_n3A = arith.select %ge3A_39, %add3A_37, %mul3A_42 : vector<10000x128xi1>, vector<10000x128xf32>
    %swap3A = arith.constant 0 : index
    %swap3A_43 = arith.constant 0 : index
    %swap3A_44 = vector.load %arg4[%swap3A, %swap3A_43] : memref<10000x128xf32, #tpu.memory_space<vmem>>, vector<10000x128xf32>
    tpu.vector_store %arg4[%swap3A, %swap3A_43], %select_n3A {strides = array<i32>} : memref<10000x128xf32, #tpu.memory_space<vmem>>, vector<10000x128xf32>,
    return
  }
}

</mosaic_0001>

<sc_bundles>
// kernel: kernel.11.cloned.1.call-start
scs
__scs_entry_jumppad:
0x0: {  	(pc) =	sbr.rel $0x88, $3  }
0x1: {  	(tag) =	ssettag $0x0;
	lr =	simm.s32 $0x1  }
0x2: {  	[smem:$0x3F98] =	sst lr;
	_ =	strace $0xD0000000  }
0x3: {  	_ = 	snop  }
0x4: {  	_ = 	snop  }
0x5: {  	_ = 	snop  }
0x6: {  	_ = 	snop  }
0x7: {  	_ = 	snop  }
__scs_overlays_trampoline_lowered:
0x8: {  	[smem:$0x3FA7] =	sst s0  }
0x9: {  	[smem:$0x3FA8] =	sst s1  }
0xa: {  	[smem:$0x3FA9] =	sst s2  }
0xb: {  	[smem:$0x3FAA] =	sst s3  }
0xc: {  	[smem:$0x3FAB] =	sst s4  }
0xd: {  	[smem:$0x3FAC] =	sst s5  }
0xe: {  	[smem:$0x3FAD] =	sst s6  }
0xf: {  	[smem:$0x3FAE] =	sst s7  }
0x10: {  	[smem:$0x3FAF] =	sst s8  }
0x11: {  	[smem:$0x3FB0] =	sst s9;
	s0 =	simm.s32 @!p0 $0x0  }
0x12: {  	s1 =	sld [smem:$0x3F96];
	s0 =	simm.s32 @p0 $0x1  }
0x13: {  	[smem:$0x3FB1] =	sst s0;
	s0 =	simm.s32 @!p1 $0x0  }
0x14: {  	s2 =	sld [smem:$0x3F95];
	s0 =	simm.s32 @p1 $0x1  }
0x15: {  	[smem:$0x3FB2] =	sst s0;
	s0 =	simm.s32 @!p2 $0x0  }
0x16: {  	s3 =	sld [smem:$0x3FDB];
	s0 =	simm.s32 @p2 $0x1  }
0x17: {  	s4 =	simm.s32 $0x1BF5;
	[smem:$0x3FB4] =	sst s0  }
0x18: {  	s0 =	sld [smem:$0x3F97];
	_ =	swait.ge [sflag:s4], $0x0  }
0x19: {  	s7 =	sld [smem:$0x3F98]  }
0x1a: {  	s8 =	sadd.s32 $0xFFFFE003, lr  }
0x1b: {  	s9 =	sadd.s32 $0xFFFFFEF7, lr;
	s5 =	simm.s32 $0xFFFFFFFF;
	p2 =	slt.u32 s8, $0xFFFFF086  }
0x1c: {  	p1 =	slt.u32 s9, $0xF7A;
	s5 =	simm.s32 @!p2 $0x0  }
0x1d: {  	s5 =	simm.s32 @p1 $0x1;
	p0 =	seq.s32 s7, s2  }
0x1e: {  	s7 =	smul.u32 @!p0 $0xF7A, s2;
	p2 =	seq.s32 @!p0 s5, $0x0  }
0x1f: {  	s9 =	smul.u32 $0xF7A, s1;
	s8 =	simm.s32 @!p0 $0x1BF5;
	p2 =	por !p2, p0  }
0x20: {  	[sflag:s8] =	ssyncset.s32 @!p0 $0xFFFFF086;
	s6 =	sadd.s32 @!p0 s3, s7;
	s7 =	simm.s32 @!p0 $0x108  }
0x21: {  	s3 =	sadd.s32 s3, s9;
	s6 =	sadd.s32 @!p0 $0x88, s6;
	s7 =	simm.s32 @p2 $0x1082  }
0x22: {  	[simem:s7], [sflag:s8] =	dma.local @!p0 [hbm:s6], $0xF7A  }
0x23: {  	s9 =	sor.u32 $0xD0000000, s2;
	s6 =	simm.s32 $0x108;
	_ =	swait.ge @!p0 [sflag:s8], $0x0  }
0x24: {  	s3 =	sadd.s32 $0x88, s3;
	s6 =	simm.s32 @!p1 $0x1082;
	[sflag:s4] =	ssyncset.s32 $0xFFFFF086  }
0x25: {  	[simem:s6], [sflag:s4] =	dma.local [hbm:s3], $0xF7A  }
0x26: {  	[smem:$0x3F98] =	sst s1;
	(tag) =	ssettag s2;
	_ =	strace s9  }
0x27: {  	s1 =	sld [smem:$0x3FA8]  }
0x28: {  	s2 =	sld [smem:$0x3FA9]  }
0x29: {  	s4 =	sld [smem:$0x3FAB]  }
0x2a: {  	p0 =	seq.s32 s5, $0x0;
	s5 =	sld [smem:$0x3FAC]  }
0x2b: {  	s6 =	sld [smem:$0x3FAD]  }
0x2c: {  	s7 =	sld [smem:$0x3FAE]  }
0x2d: {  	s3 =	simm.s32 $0x108;
	s8 =	sld [smem:$0x3FAF]  }
0x2e: {  	s3 =	simm.s32 @!p0 $0x1082;
	s9 =	sld [smem:$0x3FB0]  }
0x2f: {  	lr =	sadd.s32 s0, s3;
	s0 =	sld [smem:$0x3FA7]  }
0x30: {  	s3 =	sld [smem:$0x3FAA]  }
0x31: {  	[smem:$0x3FB3] =	sst s10  }
0x32: {  	s10 =	sld [smem:$0x3FB1];
	_ =	sdelay $0x3  }
0x33: {  	p0 =	seq.s32 s10, $0x1;
	s10 =	sld [smem:$0x3FB3];
	_ =	sdelay $0x3  }
0x34: {  	[smem:$0x3FB3] =	sst s10  }
0x35: {  	s10 =	sld [smem:$0x3FB2];
	_ =	sdelay $0x3  }
0x36: {  	p1 =	seq.s32 s10, $0x1;
	s10 =	sld [smem:$0x3FB3];
	_ =	sdelay $0x3  }
0x37: {  	[smem:$0x3FB3] =	sst s10  }
0x38: {  	s10 =	sld [smem:$0x3FB4]  }
0x39: {  	_ = 	snop;
	(pc) =	sbr.ind lr, $3  }
0x3a: {  	_ = 	snop  }
0x3b: {  	_ = 	snop  }
0x3c: {  	p2 =	seq.s32 s10, $0x1;
	s10 =	sld [smem:$0x3FB3]  }
0x3d: {  	_ =	shalt  }
0x3e: {  	_ =	shalt  }
0x3f: {  	_ =	shalt  }
0x40: {  	_ =	shalt  }
0x41: {  	_ =	shalt  }
0x42: {  	_ =	shalt  }
0x43: {  	_ =	shalt  }
0x44: {  	_ =	shalt  }
0x45: {  	_ =	shalt  }
0x46: {  	_ =	shalt  }
0x47: {  	_ =	shalt  }
0x48: {  	_ =	shalt  }
0x49: {  	_ =	shalt  }
0x4a: {  	_ =	shalt  }
0x4b: {  	_ =	shalt  }
0x4c: {  	_ =	shalt  }
0x4d: {  	_ =	shalt  }
0x4e: {  	_ =	shalt  }
0x4f: {  	_ =	shalt  }
0x50: {  	_ =	shalt  }
0x51: {  	_ =	shalt  }
0x52: {  	_ =	shalt  }
0x53: {  	_ =	shalt  }
0x54: {  	_ =	shalt  }
0x55: {  	_ =	shalt  }
0x56: {  	_ =	shalt  }
0x57: {  	_ =	shalt  }
0x58: {  	_ =	shalt  }
0x59: {  	_ =	shalt  }
0x5a: {  	_ =	shalt  }
0x5b: {  	_ =	shalt  }
0x5c: {  	_ =	shalt  }
0x5d: {  	_ =	shalt  }
0x5e: {  	_ =	shalt  }
0x5f: {  	_ =	shalt  }
0x60: {  	_ =	shalt  }
0x61: {  	_ =	shalt  }
0x62: {  	_ =	shalt  }
0x63: {  	_ =	shalt  }
0x64: {  	_ =	shalt  }
0x65: {  	_ =	shalt  }
0x66: {  	_ =	shalt  }
0x67: {  	_ =	shalt  }
0x68: {  	_ =	shalt  }
0x69: {  	_ =	shalt  }
0x6a: {  	_ =	shalt  }
0x6b: {  	_ =	shalt  }
0x6c: {  	_ =	shalt  }
0x6d: {  	_ =	shalt  }
0x6e: {  	_ =	shalt  }
0x6f: {  	_ =	shalt  }
0x70: {  	_ =	shalt  }
0x71: {  	_ =	shalt  }
0x72: {  	_ =	shalt  }
0x73: {  	_ =	shalt  }
0x74: {  	_ =	shalt  }
0x75: {  	_ =	shalt  }
0x76: {  	_ =	shalt  }
0x77: {  	_ =	shalt  }
0x78: {  	_ =	shalt  }
0x79: {  	_ =	shalt  }
0x7a: {  	_ =	shalt  }
0x7b: {  	_ =	shalt  }
0x7c: {  	_ =	shalt  }
0x7d: {  	_ =	shalt  }
0x7e: {  	_ =	shalt  }
0x7f: {  	_ =	shalt  }
0x80: {  	_ =	shalt  }
0x81: {  	_ =	shalt  }
0x82: {  	_ =	shalt  }
0x83: {  	_ =	shalt  }
0x84: {  	_ =	shalt  }
0x85: {  	_ =	shalt  }
0x86: {  	_ =	shalt  }
0x87: {  	_ =	shalt  }
.Lfunc_end0:
.L_simem_size_0:
called_computation.1_lowered:
.L_overlay_start_0:
0x88: {  	s2 =	sld [smem:$0x3FD9]  }
0x89: {  	s3 =	sld [smem:$0x3FFE];
	_ =	sdelay $0x1  }
0x8a: {  	s1 =	srdreg.scid  }
0x8b: {  	s0 =	sand.u32 $0x1, s1  }
0x8c: {  	s17 =	sshll.u32 s0, $0xA;
	s2 =	sadd.s32 s3, s2  }
0x8d: {  	s2 =	sadd.s32 s2, s17  }
0x8e: {  	[smem:$0x3FBF] =	sst s2  }
0x8f: {  	_ = 	snop  }
0x90: {  	s2 =	sld [smem:$0x3FD0];
	(tm) =	ssettm $0x1  }
0x91: {  	s18 =	sld [smem:$0x3FFB];
	_ =	sdelay $0x3  }
0x92: {  	_ =	strace s18  }
0x93: {  	s3 =	sld [smem:$0x3FFC];
	_ =	sdelay $0x3  }
0x94: {  	_ =	strace s3  }
0x95: {  	s3 =	sld [smem:$0x3FFD];
	_ =	sdelay $0x3  }
0x96: {  	_ =	strace s3  }
0x97: {  	_ =	strace $0x8FFFFFFF  }
0x98: {  	s19 =	sld [smem:$0x3FDB];
	_ =	sdelay $0x1  }
0x99: {  	s4 =	simm.s32 $_scs_section_size  }
0x9a: {  	s5 =	simm.s32 $_size__tile_overlayer_lowered;
	s6 =	simm.s32 $_tile_overlayer_lowered  }
0x9b: {  	s22 =	simm.s32 $0x1BFF;
	s21 =	sshll.u32 s6, $0x1;
	s3 =	sadd.s32 s4, s19  }
0x9c: {  	s7 =	simm.s32 $0x0;
	s20 =	sshll.u32 s5, $0x1;
	s5 =	sadd.s32 s21, s3  }
0x9d: {  	[timem:s7], [sflag:s22] =	dma.local [hbm:s5], s20  }
0x9e: {  	_ =	swait.ge [sflag:s22], s20  }
0x9f: {  	s4 =	ssub.s32 $0x0, s20;
	[sflag:s22] =	ssyncset.done $0x0  }
0xa0: {  	[sflag:s22] =	ssyncadd.s32 s4;
	_ =	sdelay $0x1  }
0xa1: {  	s23 =	simm.s32 $0x1B8B  }
0xa2: {  	_ =	swait.ge [sflag:s23], $0x1  }
0xa3: {  	[sflag:s23] =	ssyncset.done $0x0  }
0xa4: {  	s25 =	simm.s32 $0x1B8E;
	s24 =	sld [smem:$0x3FFE];
	[sflag:s23] =	ssyncadd.s32 $0xFFFFFFFF  }
0xa5: {  	s26 =	simm.s32 $execute0_lowered;
	[smem:$0x3FD2] =	sst s25  }
0xa6: {  	s5 =	sshll.u32 s26, $0x1;
	_ =	strace $0x80000049;
	[dreg:$0x1] =	wrdreg $0xFFFFFFFF  }
0xa7: {  	s28 =	simm.s32 $_size_execute0_lowered;
	s3 =	sadd.s32 s3, s5;
	[dreg:$0x0] =	wrdreg $0x0  }
0xa8: {  	s5 =	sshll.u32 s28, $0x1;
	[dreg:$0x2] =	wrdreg s3  }
0xa9: {  	[dreg:$0x3] =	wrdreg s5  }
0xaa: {  	[dreg:$0x4] =	wrdreg $0xC0  }
0xab: {  	_ =	task [dreg:s7], $0x5FFFF  }
0xac: {  	[dreg:$0x1] =	wrdreg $0xFFFFFFFF  }
0xad: {  	[dreg:$0x0] =	wrdreg $0x60  }
0xae: {  	[dreg:$0x2] =	wrdreg s24  }
0xaf: {  	[dreg:$0x3] =	wrdreg s2  }
0xb0: {  	[dreg:$0x4] =	wrdreg $0xA8000  }
0xb1: {  	[dreg:$0x5] =	wrdreg $0x9  }
0xb2: {  	_ =	task.clear_ibuf [dreg:s7], $0x6FFFF;
	_ =	strace $0x90000049  }
0xb3: {  	s29 =	simm.s32 $0x9;
	_ =	strace $0x8000004B  }
0xb4: {  	_ =	swait.ge [sflag:s29], $0x1  }
0xb5: {  	[sflag:s29] =	ssyncadd.s32 $0xFFFFFFFF  }
0xb6: {  	_ =	strace $0x9000004B  }
0xb7: {  	_ =	sfence  }
0xb8: {  	s30 =	sld [smem:$0x0];
	_ =	sdelay $0x2  }
0xb9: {  	s31 =	sshll.u32 s1, $0xD;
	s1 =	sshrl.u32 s1, $0x2  }
0xba: {  	s3 =	sand.u32 $0x4000, s31;
	s1 =	sadd.s32 s1, s30  }
0xbb: {  	s0 =	sor.u32 s3, s0;
	s1 =	sshll.u32 s1, $0x11  }
0xbc: {  	s0 =	sor.u32 s1, s0  }
0xbd: {  	s0 =	sadd.s32 $0x8F2B, s0  }
0xbe: {  	[sflag:s0] =	ssyncadd.remote.s32 $0x1  }
0xbf: {  	_ =	sfence.sel $0xFFFF  }
0xc0: {  	[dreg:$0x0] =	wrdreg $0xFFFFFFFF;
	(pc) =	sbr.abs _section_cstart, $3  }
0xc1: {  	[dreg:$0x1] =	wrdreg $0xFFFFFFFF  }
0xc2: {  	_ =	task.clear_ibuf [dreg:s7], $0x2FFFF;
	_ =	strace $0x9FFFFFFF  }
0xc3: {  	(tm) =	ssettm $0x7FFFFFFF  }
tec
execute0_lowered:
.L_overlay_start_1:
0x0: {  	(tag) =	ssettag $0x1  }
0x1: {  	s4 =	rddreg [dreg:$0x0]  }
0x2: {  	s6 =	rddreg [dreg:$0x1]  }
0x3: {  	s1 =	rddreg [dreg:$0x2]  }
0x4: {  	s2 =	simm.s32 $0x0;
	s5 =	srdreg.scid;
	s14 =	stileid.u32  }
0x5: {  	s19 =	simm.s32 $0x2800;
	s20 =	simm.s32 $0x1;
	s21 =	simm.s32 $0x6800  }
0x6: {  	s22 =	simm.s32 $0x2;
	s23 =	simm.s32 $0x2700;
	s24 =	simm.s32 $0x1380  }
0x7: {  	s25 =	simm.s32 $0x2780;
	[smem:$0x7FF] =	sst s2;
	s3 =	sadd.s32 $0x16200, s4  }
0x8: {  	s12 =	sadd.s32 $0x2200, s4;
	s7 =	sand.u32 $0x1, s5;
	s26 =	smul.u32 $0x4E000, s14  }
0x9: {  	s13 =	sadd.s32 $0xC200, s4;
	s9 =	smul.u32 $0x13800, s14;
	s10 =	sadd.s32 $0x434E00, s4  }
0xa: {  	s30 =	sshll.u32 s14, $0x6;
	s16 =	sshll.u32 s14, $0x1;
	s17 =	sadd.s32 $0x138000, s1  }
0xb: {  	p0 =	sne.s32 s14, $0x0;
	_ =	strace $0x8000004A;
	s8 =	ssub.s32 $0x2, s7  }
0xc: {  	s31 =	smul.u32 $0x138800, s7;
	s7 =	sshll.u32 s7, $0x5;
	s28 =	sshrl.u32 s8, $0x1  }
0xd: {  	s5 =	sshrl.u32 s26, $0x2;
	s29 =	sshrl.u32 s9, $0x3;
	s7 =	sor.u32 s16, s7  }
0xe: {  	s26 =	simm.s32 $0x0;
	s11 =	ssub.s32 s8, s28;
	s15 =	sadd.s32 s5, s1  }
0xf: {  	s4 =	sadd.s32 s6, s29;
	s5 =	sor.u32 $0x1C03, s30;
	s9 =	sadd.s32 s9, s31  }
0x10: {  	s8 =	sshrl.u32 s31, $0x3;
	s16 =	smul.u32 $0x280, s7;
	s6 =	sadd.s32 $0x27000, s6  }
0x11: {  	s9 =	sshrl.u32 s9, $0x3;
	s8 =	sadd.s32 s10, s8;
	s14 =	sshrl.u32 s15, $0x3  }
0x12: {  	s15 =	simm.s32 $0x3;
	s7 =	sadd.s32 s10, s9;
	s8 =	sadd.s32 $0x27000, s8  }
0x13: {  	s9 =	smax.u32 s11, $0x1;
	s18 =	sadd.s32 $0x280, s16;
	s10 =	sadd.s32 s12, s16  }
0x14: {  	s11 =	sadd.s32 s13, s16;
	s16 =	sshrl.u32 @!p0 s17, $0x3;
	s17 =	simm.s32 $0x1400  }
0x15: {  	s12 =	sadd.s32 s12, s18;
	s13 =	sadd.s32 s13, s18;
	s18 =	simm.s32 $0x7D  }
.LBB2_1:
0x16: {  	[spmem:s14], [sflag:s5] =	dma.local [hbm:s4], $0x2700  }
0x17: {  	_ =	swait.ge [sflag:s15], $0x2700  }
0x18: {  	[sflag:s15] =	ssyncset.done $0x0  }
0x19: {  	s28 =	simm.s32 @!p0 $0x3;
	[sflag:s15] =	ssyncadd.s32 $0xFFFFD900  }
0x1a: {  	[spmem:s16], [sflag:s5] =	dma.local @!p0 [hbm:s6], $0x100  }
0x1b: {  	_ =	swait.ge @!p0 [sflag:s28], $0x100  }
0x1c: {  	[sflag:s28] =	ssyncset.done @!p0 $0x0  }
0x1d: {  	[sflag:s28] =	ssyncadd.s32 @!p0 $0xFFFFFF00  }
0x1e: {  	[bflag:$0x0] =	sbarrier.arrive $0xFFFF  }
0x1f: {  	[tilespmem:s2], [sflag:$0x3] =	stream.linear.gather [hbm4b:s10+s2], $0x1400, $0x38;
	[tilespmem:$0x1E080] =	vst v63  }
0x20: {  	_ =	swait.ge [sflag:s15], $0x1400  }
0x21: {  	[sflag:s15] =	ssyncset.done $0x0  }
0x22: {  	[sflag:s15] =	ssyncadd.s32 $0xFFFFEC00  }
0x23: {  	[tilespmem:s17], [sflag:$0x3] =	stream.linear.gather [hbm4b:s11+s2], $0x1400, $0x38;
	[tilespmem:$0x1E080] =	vst v63  }
0x24: {  	_ =	swait.ge [sflag:s15], $0x1400  }
0x25: {  	[sflag:s15] =	ssyncset.done $0x0  }
0x26: {  	[sflag:s15] =	ssyncadd.s32 $0xFFFFEC00  }
0x27: {  	[tilespmem:s19], [sflag:$0x1] =	stream.indirect.gather [hbm4b:s3+s18], $0x80, s2, s18, $0xb8;
	[tilespmem:$0x1E080] =	vst v63  }
0x28: {  	_ =	swait.ge [sflag:s20], $0x3E80  }
0x29: {  	[sflag:s20] =	ssyncset.done $0x0  }
0x2a: {  	s28 =	simm.s32 $0x1400;
	[sflag:s20] =	ssyncadd.s32 $0xFFFFC180  }
0x2b: {  	[spmem:s1] =	stream.indirect.scatter.add.f32 [tilespmem:s19], [sflag:$0x2], $0x80, s28, s18, $0xb8;
	[tilespmem:$0x1E080] =	vst v63  }
0x2c: {  	s28 =	simm.s32 $0x80  }
0x2d: {  	[tilespmem:s21], [sflag:$0x1] =	stream.indirect.gather [hbm4b:s3+s18], $0x80, s28, s18, $0xb8;
	[tilespmem:$0x1E080] =	vst v63  }
0x2e: {  	_ =	swait.ge [sflag:s20], $0x3E80  }
0x2f: {  	[sflag:s20] =	ssyncset.done $0x0  }
0x30: {  	[sflag:s20] =	ssyncadd.s32 $0xFFFFC180  }
0x31: {  	_ =	swait.ge [sflag:s22], $0x3E80  }
0x32: {  	[sflag:s22] =	ssyncset.done $0x0  }
0x33: {  	s28 =	simm.s32 $0x1480;
	[sflag:s22] =	ssyncadd.s32 $0xFFFFC180  }
0x34: {  	[spmem:s1] =	stream.indirect.scatter.add.f32 [tilespmem:s21], [sflag:$0x2], $0x80, s28, s18, $0xb8;
	[tilespmem:$0x1E080] =	vst v63  }
0x35: {  	s28 =	simm.s32 $0x100  }
0x36: {  	[tilespmem:s19], [sflag:$0x1] =	stream.indirect.gather [hbm4b:s3+s18], $0x80, s28, s18, $0xb8;
	[tilespmem:$0x1E080] =	vst v63  }
0x37: {  	_ =	swait.ge [sflag:s20], $0x3E80  }
0x38: {  	[sflag:s20] =	ssyncset.done $0x0  }
0x39: {  	[sflag:s20] =	ssyncadd.s32 $0xFFFFC180  }
0x3a: {  	_ =	swait.ge [sflag:s22], $0x3E80  }
0x3b: {  	s29 =	simm.s32 $0x800;
	s28 =	simm.s32 $0x100;
	[sflag:s22] =	ssyncset.done $0x0  }
.LBB2_2:
0x3c: {  	s30 =	sadd.s32 $0x1400, s28  }
0x3d: {  	[sflag:s22] =	ssyncadd.s32 $0xFFFFC180;
	s31 =	smov.u32 s29;
	s0 =	sadd.s32 $0x400, s29  }
0x3e: {  	[spmem:s1] =	stream.indirect.scatter.add.f32 [tilespmem:s19], [sflag:$0x2], $0x80, s30, s18, $0xb8;
	[tilespmem:$0x1E080] =	vst v63  }
0x3f: {  	p1 =	sne.s32 s29, $0x4800;
	s29 =	sadd.s32 $0x80, s28  }
0x40: {  	[tilespmem:s21], [sflag:$0x1] =	stream.indirect.gather [hbm4b:s3+s18], $0x80, s29, s18, $0xb8;
	[tilespmem:$0x1E080] =	vst v63  }
0x41: {  	_ =	swait.ge [sflag:s20], $0x3E80  }
0x42: {  	[sflag:s20] =	ssyncset.done $0x0  }
0x43: {  	[sflag:s20] =	ssyncadd.s32 $0xFFFFC180  }
0x44: {  	_ =	swait.ge [sflag:s22], $0x3E80  }
0x45: {  	[sflag:s22] =	ssyncset.done $0x0  }
0x46: {  	s29 =	sadd.s32 $0x1480, s28;
	[sflag:s22] =	ssyncadd.s32 $0xFFFFC180  }
0x47: {  	[spmem:s1] =	stream.indirect.scatter.add.f32 [tilespmem:s21], [sflag:$0x2], $0x80, s29, s18, $0xb8;
	[tilespmem:$0x1E080] =	vst v63  }
0x48: {  	s28 =	sadd.s32 $0x100, s28  }
0x49: {  	[tilespmem:s19], [sflag:$0x1] =	stream.indirect.gather [hbm4b:s3+s18], $0x80, s28, s18, $0xb8;
	[tilespmem:$0x1E080] =	vst v63  }
.Ltmp0:
0x4a: {  	_ =	swait.ge [sflag:s20], $0x3E80;
	(pc) =	sbr.rel @p1 .LBB2_2-.Ltmp0, $4  }
0x4b: {  	[sflag:s20] =	ssyncset.done $0x0  }
0x4c: {  	[sflag:s20] =	ssyncadd.s32 $0xFFFFC180  }
0x4d: {  	_ =	swait.ge [sflag:s22], $0x3E80  }
0x4e: {  	s29 =	smov.u32 s0;
	s28 =	sshra.s32 s31, $0x2;
	[sflag:s22] =	ssyncset.done $0x0  }
0x4f: {  	s0 =	sadd.s32 $0x1400, s28;
	[sflag:s22] =	ssyncadd.s32 $0xFFFFC180  }
0x50: {  	[spmem:s1] =	stream.indirect.scatter.add.f32 [tilespmem:s19], [sflag:$0x2], $0x80, s0, s18, $0xb8;
	[tilespmem:$0x1E080] =	vst v63  }
0x51: {  	s30 =	sadd.s32 $0x80, s28  }
0x52: {  	[tilespmem:s21], [sflag:$0x1] =	stream.indirect.gather [hbm4b:s3+s18], $0x80, s30, s18, $0xb8;
	[tilespmem:$0x1E080] =	vst v63  }
0x53: {  	_ =	swait.ge [sflag:s20], $0x3E80  }
0x54: {  	[sflag:s20] =	ssyncset.done $0x0  }
0x55: {  	[sflag:s20] =	ssyncadd.s32 $0xFFFFC180  }
0x56: {  	_ =	swait.ge [sflag:s22], $0x3E80  }
0x57: {  	[sflag:s22] =	ssyncset.done $0x0  }
0x58: {  	s31 =	sadd.s32 $0x1480, s28;
	[sflag:s22] =	ssyncadd.s32 $0xFFFFC180  }
0x59: {  	[spmem:s1] =	stream.indirect.scatter.add.f32 [tilespmem:s21], [sflag:$0x2], $0x80, s31, s18, $0xb8;
	[tilespmem:$0x1E080] =	vst v63  }
0x5a: {  	s30 =	sadd.s32 $0x100, s28  }
0x5b: {  	[tilespmem:s19], [sflag:$0x1] =	stream.indirect.gather [hbm4b:s3+s18], $0x80, s30, s18, $0xb8;
	[tilespmem:$0x1E080] =	vst v63  }
0x5c: {  	_ =	swait.ge [sflag:s20], $0x3E80  }
0x5d: {  	[sflag:s20] =	ssyncset.done $0x0  }
0x5e: {  	[sflag:s20] =	ssyncadd.s32 $0xFFFFC180  }
0x5f: {  	_ =	swait.ge [sflag:s22], $0x3E80  }
0x60: {  	[sflag:s22] =	ssyncset.done $0x0  }
0x61: {  	[sflag:s22] =	ssyncadd.s32 $0xFFFFC180  }
0x62: {  	[spmem:s1] =	stream.indirect.scatter.add.f32 [tilespmem:s19], [sflag:$0x2], $0x80, s23, s18, $0xb8;
	[tilespmem:$0x1E080] =	vst v63  }
0x63: {  	_ = 	snop  }
0x64: {  	[tilespmem:s21], [sflag:$0x1] =	stream.indirect.gather [hbm4b:s3+s18], $0x80, s24, s18, $0xb8;
	[tilespmem:$0x1E080] =	vst v63  }
0x65: {  	_ =	swait.ge [sflag:s20], $0x3E80  }
0x66: {  	[sflag:s20] =	ssyncset.done $0x0  }
0x67: {  	[sflag:s20] =	ssyncadd.s32 $0xFFFFC180  }
0x68: {  	_ =	swait.ge [sflag:s22], $0x3E80  }
0x69: {  	[sflag:s22] =	ssyncset.done $0x0  }
0x6a: {  	[sflag:s22] =	ssyncadd.s32 $0xFFFFC180  }
0x6b: {  	[spmem:s1] =	stream.indirect.scatter.add.f32 [tilespmem:s21], [sflag:$0x2], $0x80, s25, s18, $0xb8;
	[tilespmem:$0x1E080] =	vst v63  }
0x6c: {  	_ =	swait.ge [sflag:s22], $0x3E80  }
0x6d: {  	[sflag:s22] =	ssyncset.done $0x0  }
0x6e: {  	s31 =	simm.s32 $0x0;
	[sflag:s22] =	ssyncadd.s32 $0xFFFFC180  }
0x6f: {  	[tilespmem:s31], [sflag:$0x3] =	stream.linear.gather [hbm4b:s12+s31], $0x1400, $0x38;
	[tilespmem:$0x1E080] =	vst v63  }
0x70: {  	_ =	swait.ge [sflag:s15], $0x1400  }
0x71: {  	[sflag:s15] =	ssyncset.done $0x0  }
0x72: {  	[sflag:s15] =	ssyncadd.s32 $0xFFFFEC00  }
0x73: {  	[tilespmem:s17], [sflag:$0x3] =	stream.linear.gather [hbm4b:s13+s31], $0x1400, $0x38;
	[tilespmem:$0x1E080] =	vst v63  }
0x74: {  	_ =	swait.ge [sflag:s15], $0x1400  }
0x75: {  	[sflag:s15] =	ssyncset.done $0x0  }
0x76: {  	[sflag:s15] =	ssyncadd.s32 $0xFFFFEC00  }
0x77: {  	[tilespmem:s19], [sflag:$0x1] =	stream.indirect.gather [hbm4b:s3+s18], $0x80, s31, s18, $0xb8;
	[tilespmem:$0x1E080] =	vst v63  }
0x78: {  	_ =	swait.ge [sflag:s20], $0x3E80  }
0x79: {  	[sflag:s20] =	ssyncset.done $0x0  }
0x7a: {  	s30 =	simm.s32 $0x1400;
	[sflag:s20] =	ssyncadd.s32 $0xFFFFC180  }
0x7b: {  	[spmem:s1] =	stream.indirect.scatter.add.f32 [tilespmem:s19], [sflag:$0x2], $0x80, s30, s18, $0xb8;
	[tilespmem:$0x1E080] =	vst v63  }
0x7c: {  	s31 =	simm.s32 $0x80  }
0x7d: {  	[tilespmem:s21], [sflag:$0x1] =	stream.indirect.gather [hbm4b:s3+s18], $0x80, s31, s18, $0xb8;
	[tilespmem:$0x1E080] =	vst v63  }
0x7e: {  	_ =	swait.ge [sflag:s20], $0x3E80  }
0x7f: {  	[sflag:s20] =	ssyncset.done $0x0  }
0x80: {  	[sflag:s20] =	ssyncadd.s32 $0xFFFFC180  }
0x81: {  	_ =	swait.ge [sflag:s22], $0x3E80  }
0x82: {  	[sflag:s22] =	ssyncset.done $0x0  }
0x83: {  	s30 =	simm.s32 $0x1480;
	[sflag:s22] =	ssyncadd.s32 $0xFFFFC180  }
0x84: {  	[spmem:s1] =	stream.indirect.scatter.add.f32 [tilespmem:s21], [sflag:$0x2], $0x80, s30, s18, $0xb8;
	[tilespmem:$0x1E080] =	vst v63  }
0x85: {  	s31 =	simm.s32 $0x100  }
0x86: {  	[tilespmem:s19], [sflag:$0x1] =	stream.indirect.gather [hbm4b:s3+s18], $0x80, s31, s18, $0xb8;
	[tilespmem:$0x1E080] =	vst v63  }
0x87: {  	_ =	swait.ge [sflag:s20], $0x3E80  }
0x88: {  	[sflag:s20] =	ssyncset.done $0x0  }
0x89: {  	[sflag:s20] =	ssyncadd.s32 $0xFFFFC180  }
0x8a: {  	_ =	swait.ge [sflag:s22], $0x3E80  }
0x8b: {  	s29 =	simm.s32 $0x800;
	s28 =	simm.s32 $0x100;
	[sflag:s22] =	ssyncset.done $0x0  }
.LBB2_4:
0x8c: {  	s0 =	sadd.s32 $0x1400, s28  }
0x8d: {  	[sflag:s22] =	ssyncadd.s32 $0xFFFFC180;
	s30 =	smov.u32 s29;
	s31 =	sadd.s32 $0x400, s29  }
0x8e: {  	[spmem:s1] =	stream.indirect.scatter.add.f32 [tilespmem:s19], [sflag:$0x2], $0x80, s0, s18, $0xb8;
	[tilespmem:$0x1E080] =	vst v63  }
0x8f: {  	p1 =	sne.s32 s29, $0x4800;
	s0 =	sadd.s32 $0x80, s28  }
0x90: {  	[tilespmem:s21], [sflag:$0x1] =	stream.indirect.gather [hbm4b:s3+s18], $0x80, s0, s18, $0xb8;
	[tilespmem:$0x1E080] =	vst v63  }
0x91: {  	_ =	swait.ge [sflag:s20], $0x3E80  }
0x92: {  	[sflag:s20] =	ssyncset.done $0x0  }
0x93: {  	[sflag:s20] =	ssyncadd.s32 $0xFFFFC180  }
0x94: {  	_ =	swait.ge [sflag:s22], $0x3E80  }
0x95: {  	[sflag:s22] =	ssyncset.done $0x0  }
0x96: {  	s0 =	sadd.s32 $0x1480, s28;
	[sflag:s22] =	ssyncadd.s32 $0xFFFFC180  }
0x97: {  	[spmem:s1] =	stream.indirect.scatter.add.f32 [tilespmem:s21], [sflag:$0x2], $0x80, s0, s18, $0xb8;
	[tilespmem:$0x1E080] =	vst v63  }
0x98: {  	s0 =	sadd.s32 $0x100, s28  }
0x99: {  	[tilespmem:s19], [sflag:$0x1] =	stream.indirect.gather [hbm4b:s3+s18], $0x80, s0, s18, $0xb8;
	[tilespmem:$0x1E080] =	vst v63  }
.Ltmp1:
0x9a: {  	_ =	swait.ge [sflag:s20], $0x3E80;
	(pc) =	sbr.rel @p1 .LBB2_4-.Ltmp1, $4  }
0x9b: {  	[sflag:s20] =	ssyncset.done $0x0  }
0x9c: {  	[sflag:s20] =	ssyncadd.s32 $0xFFFFC180  }
0x9d: {  	_ =	swait.ge [sflag:s22], $0x3E80  }
0x9e: {  	s29 =	smov.u32 s31;
	s28 =	sshra.s32 s30, $0x2;
	[sflag:s22] =	ssyncset.done $0x0  }
0x9f: {  	s0 =	sadd.s32 $0x1400, s28;
	[sflag:s22] =	ssyncadd.s32 $0xFFFFC180  }
0xa0: {  	[spmem:s1] =	stream.indirect.scatter.add.f32 [tilespmem:s19], [sflag:$0x2], $0x80, s0, s18, $0xb8;
	[tilespmem:$0x1E080] =	vst v63  }
0xa1: {  	s29 =	sadd.s32 $0x80, s28  }
0xa2: {  	[tilespmem:s21], [sflag:$0x1] =	stream.indirect.gather [hbm4b:s3+s18], $0x80, s29, s18, $0xb8;
	[tilespmem:$0x1E080] =	vst v63  }
0xa3: {  	_ =	swait.ge [sflag:s20], $0x3E80  }
0xa4: {  	[sflag:s20] =	ssyncset.done $0x0  }
0xa5: {  	[sflag:s20] =	ssyncadd.s32 $0xFFFFC180  }
0xa6: {  	_ =	swait.ge [sflag:s22], $0x3E80  }
0xa7: {  	[sflag:s22] =	ssyncset.done $0x0  }
0xa8: {  	s30 =	sadd.s32 $0x1480, s28;
	[sflag:s22] =	ssyncadd.s32 $0xFFFFC180  }
0xa9: {  	[spmem:s1] =	stream.indirect.scatter.add.f32 [tilespmem:s21], [sflag:$0x2], $0x80, s30, s18, $0xb8;
	[tilespmem:$0x1E080] =	vst v63  }
0xaa: {  	s31 =	sadd.s32 $0x100, s28  }
0xab: {  	[tilespmem:s19], [sflag:$0x1] =	stream.indirect.gather [hbm4b:s3+s18], $0x80, s31, s18, $0xb8;
	[tilespmem:$0x1E080] =	vst v63  }
0xac: {  	_ =	swait.ge [sflag:s20], $0x3E80  }
0xad: {  	[sflag:s20] =	ssyncset.done $0x0  }
0xae: {  	[sflag:s20] =	ssyncadd.s32 $0xFFFFC180  }
0xaf: {  	_ =	swait.ge [sflag:s22], $0x3E80  }
0xb0: {  	[sflag:s22] =	ssyncset.done $0x0  }
0xb1: {  	[sflag:s22] =	ssyncadd.s32 $0xFFFFC180  }
0xb2: {  	[spmem:s1] =	stream.indirect.scatter.add.f32 [tilespmem:s19], [sflag:$0x2], $0x80, s23, s18, $0xb8;
	[tilespmem:$0x1E080] =	vst v63  }
0xb3: {  	_ = 	snop  }
0xb4: {  	[tilespmem:s21], [sflag:$0x1] =	stream.indirect.gather [hbm4b:s3+s18], $0x80, s24, s18, $0xb8;
	[tilespmem:$0x1E080] =	vst v63  }
0xb5: {  	_ =	swait.ge [sflag:s20], $0x3E80  }
0xb6: {  	[sflag:s20] =	ssyncset.done $0x0  }
0xb7: {  	[sflag:s20] =	ssyncadd.s32 $0xFFFFC180  }
0xb8: {  	_ =	swait.ge [sflag:s22], $0x3E80  }
0xb9: {  	[sflag:s22] =	ssyncset.done $0x0  }
0xba: {  	[sflag:s22] =	ssyncadd.s32 $0xFFFFC180  }
0xbb: {  	[spmem:s1] =	stream.indirect.scatter.add.f32 [tilespmem:s21], [sflag:$0x2], $0x80, s25, s18, $0xb8;
	[tilespmem:$0x1E080] =	vst v63  }
0xbc: {  	_ =	swait.ge [sflag:s22], $0x3E80  }
0xbd: {  	[sflag:s22] =	ssyncset.done $0x0  }
0xbe: {  	[sflag:s22] =	ssyncadd.s32 $0xFFFFC180  }
0xbf: {  	[bflag:$0x0] =	sbarrier.arrive $0xFFFF  }
0xc0: {  	[hbm:s7], [sflag:s5] =	dma.local [spmem:s14], $0x2700  }
0xc1: {  	s26 =	sadd.s32 $0x1, s26;
	_ =	swait.ge [sflag:s15], $0x2700  }
0xc2: {  	p1 =	sne.s32 s26, s9;
	[sflag:s15] =	ssyncset.done $0x0  }
.Ltmp2:
0xc3: {  	s0 =	simm.s32 @!p0 $0x3;
	[sflag:s15] =	ssyncadd.s32 $0xFFFFD900;
	(pc) =	sbr.rel @p1 .LBB2_1-.Ltmp2, $4  }
0xc4: {  	[hbm:s8], [sflag:s5] =	dma.local @!p0 [spmem:s16], $0x100  }
0xc5: {  	_ =	swait.ge @!p0 [sflag:s0], $0x100  }
0xc6: {  	[sflag:s0] =	ssyncset.done @!p0 $0x0  }
0xc7: {  	[sflag:s0] =	ssyncadd.s32 @!p0 $0xFFFFFF00  }
0xc8: {  	_ =	sfence.sel $0x180000  }
0xc9: {  	[bflag:$0x0] =	sbarrier.arrive $0xFFFF  }
0xca: {  	_ =	strace $0x9000004A  }
0xcb: {  	[bflag:$0x2] =	sbarrier.arrive $0xFFFF  }
0xcc: {  	s0 =	rddreg [dreg:$0x3]  }
0xcd: {  	s0 =	sadd.s32 @!p0 $0x100000, s0  }
0xce: {  	[sflag:s0] =	ssyncadd.tile.s32 @!p0 $0x1;
	_ =	shalt  }
.Lfunc_end2:
_tile_overlayer_lowered:
.L_overlay_start_2:
0xcf: {  	(tag) =	ssettag $0x2  }
0xd0: {  	s0 =	rddreg [dreg:$0x0];
	s2 =	stileid.u32  }
0xd1: {  	s1 =	rddreg [dreg:$0x1];
	p0 =	sne.s32 s2, $0x0  }
0xd2: {  	s3 =	rddreg [dreg:$0x2];
	[bflag:$0x3] =	sbarrier.arrive $0xFFFF;
	s2 =	simm.s32 @!p0 $0x1C03  }
0xd3: {  	[timem:s3], [sflag:s2] =	dma.local @!p0 [hbm:s0], s1  }
0xd4: {  	s0 =	simm.s32 @!p0 $0x3  }
0xd5: {  	_ =	swait.ge @!p0 [sflag:s0], s1  }
0xd6: {  	s1 =	ssub.s32 @!p0 $0x0, s1;
	[sflag:s0] =	ssyncset.done @!p0 $0x0  }
0xd7: {  	[sflag:s0] =	ssyncadd.s32 @!p0 s1  }
0xd8: {  	[bflag:$0x3] =	sbarrier.arrive $0xFFFF  }
0xd9: {  	_ =	shalt  }

// kernel: kernel.8.cloned.1.call-start
scs
__scs_entry_jumppad:
0x0: {  	(pc) =	sbr.rel $0x88, $3  }
0x1: {  	(tag) =	ssettag $0x0;
	lr =	simm.s32 $0x1  }
0x2: {  	[smem:$0x3F98] =	sst lr;
	_ =	strace $0xD0000000  }
0x3: {  	_ = 	snop  }
0x4: {  	_ = 	snop  }
0x5: {  	_ = 	snop  }
0x6: {  	_ = 	snop  }
0x7: {  	_ = 	snop  }
__scs_overlays_trampoline_lowered:
0x8: {  	[smem:$0x3FA7] =	sst s0  }
0x9: {  	[smem:$0x3FA8] =	sst s1  }
0xa: {  	[smem:$0x3FA9] =	sst s2  }
0xb: {  	[smem:$0x3FAA] =	sst s3  }
0xc: {  	[smem:$0x3FAB] =	sst s4  }
0xd: {  	[smem:$0x3FAC] =	sst s5  }
0xe: {  	[smem:$0x3FAD] =	sst s6  }
0xf: {  	[smem:$0x3FAE] =	sst s7  }
0x10: {  	[smem:$0x3FAF] =	sst s8  }
0x11: {  	[smem:$0x3FB0] =	sst s9;
	s0 =	simm.s32 @!p0 $0x0  }
0x12: {  	s1 =	sld [smem:$0x3F96];
	s0 =	simm.s32 @p0 $0x1  }
0x13: {  	[smem:$0x3FB1] =	sst s0;
	s0 =	simm.s32 @!p1 $0x0  }
0x14: {  	s2 =	sld [smem:$0x3F95];
	s0 =	simm.s32 @p1 $0x1  }
0x15: {  	[smem:$0x3FB2] =	sst s0;
	s0 =	simm.s32 @!p2 $0x0  }
0x16: {  	s3 =	sld [smem:$0x3FDB];
	s0 =	simm.s32 @p2 $0x1  }
0x17: {  	s4 =	simm.s32 $0x1BF5;
	[smem:$0x3FB4] =	sst s0  }
0x18: {  	s0 =	sld [smem:$0x3F97];
	_ =	swait.ge [sflag:s4], $0x0  }
0x19: {  	s7 =	sld [smem:$0x3F98]  }
0x1a: {  	s8 =	sadd.s32 $0xFFFFE003, lr  }
0x1b: {  	s9 =	sadd.s32 $0xFFFFFEF7, lr;
	s5 =	simm.s32 $0xFFFFFFFF;
	p2 =	slt.u32 s8, $0xFFFFF086  }
0x1c: {  	p1 =	slt.u32 s9, $0xF7A;
	s5 =	simm.s32 @!p2 $0x0  }
0x1d: {  	s5 =	simm.s32 @p1 $0x1;
	p0 =	seq.s32 s7, s2  }
0x1e: {  	s7 =	smul.u32 @!p0 $0xF7A, s2;
	p2 =	seq.s32 @!p0 s5, $0x0  }
0x1f: {  	s9 =	smul.u32 $0xF7A, s1;
	s8 =	simm.s32 @!p0 $0x1BF5;
	p2 =	por !p2, p0  }
0x20: {  	[sflag:s8] =	ssyncset.s32 @!p0 $0xFFFFF086;
	s6 =	sadd.s32 @!p0 s3, s7;
	s7 =	simm.s32 @!p0 $0x108  }
0x21: {  	s3 =	sadd.s32 s3, s9;
	s6 =	sadd.s32 @!p0 $0x88, s6;
	s7 =	simm.s32 @p2 $0x1082  }
0x22: {  	[simem:s7], [sflag:s8] =	dma.local @!p0 [hbm:s6], $0xF7A  }
0x23: {  	s9 =	sor.u32 $0xD0000000, s2;
	s6 =	simm.s32 $0x108;
	_ =	swait.ge @!p0 [sflag:s8], $0x0  }
0x24: {  	s3 =	sadd.s32 $0x88, s3;
	s6 =	simm.s32 @!p1 $0x1082;
	[sflag:s4] =	ssyncset.s32 $0xFFFFF086  }
0x25: {  	[simem:s6], [sflag:s4] =	dma.local [hbm:s3], $0xF7A  }
0x26: {  	[smem:$0x3F98] =	sst s1;
	(tag) =	ssettag s2;
	_ =	strace s9  }
0x27: {  	s1 =	sld [smem:$0x3FA8]  }
0x28: {  	s2 =	sld [smem:$0x3FA9]  }
0x29: {  	s4 =	sld [smem:$0x3FAB]  }
0x2a: {  	p0 =	seq.s32 s5, $0x0;
	s5 =	sld [smem:$0x3FAC]  }
0x2b: {  	s6 =	sld [smem:$0x3FAD]  }
0x2c: {  	s7 =	sld [smem:$0x3FAE]  }
0x2d: {  	s3 =	simm.s32 $0x108;
	s8 =	sld [smem:$0x3FAF]  }
0x2e: {  	s3 =	simm.s32 @!p0 $0x1082;
	s9 =	sld [smem:$0x3FB0]  }
0x2f: {  	lr =	sadd.s32 s0, s3;
	s0 =	sld [smem:$0x3FA7]  }
0x30: {  	s3 =	sld [smem:$0x3FAA]  }
0x31: {  	[smem:$0x3FB3] =	sst s10  }
0x32: {  	s10 =	sld [smem:$0x3FB1];
	_ =	sdelay $0x3  }
0x33: {  	p0 =	seq.s32 s10, $0x1;
	s10 =	sld [smem:$0x3FB3];
	_ =	sdelay $0x3  }
0x34: {  	[smem:$0x3FB3] =	sst s10  }
0x35: {  	s10 =	sld [smem:$0x3FB2];
	_ =	sdelay $0x3  }
0x36: {  	p1 =	seq.s32 s10, $0x1;
	s10 =	sld [smem:$0x3FB3];
	_ =	sdelay $0x3  }
0x37: {  	[smem:$0x3FB3] =	sst s10  }
0x38: {  	s10 =	sld [smem:$0x3FB4]  }
0x39: {  	_ = 	snop;
	(pc) =	sbr.ind lr, $3  }
0x3a: {  	_ = 	snop  }
0x3b: {  	_ = 	snop  }
0x3c: {  	p2 =	seq.s32 s10, $0x1;
	s10 =	sld [smem:$0x3FB3]  }
0x3d: {  	_ =	shalt  }
0x3e: {  	_ =	shalt  }
0x3f: {  	_ =	shalt  }
0x40: {  	_ =	shalt  }
0x41: {  	_ =	shalt  }
0x42: {  	_ =	shalt  }
0x43: {  	_ =	shalt  }
0x44: {  	_ =	shalt  }
0x45: {  	_ =	shalt  }
0x46: {  	_ =	shalt  }
0x47: {  	_ =	shalt  }
0x48: {  	_ =	shalt  }
0x49: {  	_ =	shalt  }
0x4a: {  	_ =	shalt  }
0x4b: {  	_ =	shalt  }
0x4c: {  	_ =	shalt  }
0x4d: {  	_ =	shalt  }
0x4e: {  	_ =	shalt  }
0x4f: {  	_ =	shalt  }
0x50: {  	_ =	shalt  }
0x51: {  	_ =	shalt  }
0x52: {  	_ =	shalt  }
0x53: {  	_ =	shalt  }
0x54: {  	_ =	shalt  }
0x55: {  	_ =	shalt  }
0x56: {  	_ =	shalt  }
0x57: {  	_ =	shalt  }
0x58: {  	_ =	shalt  }
0x59: {  	_ =	shalt  }
0x5a: {  	_ =	shalt  }
0x5b: {  	_ =	shalt  }
0x5c: {  	_ =	shalt  }
0x5d: {  	_ =	shalt  }
0x5e: {  	_ =	shalt  }
0x5f: {  	_ =	shalt  }
0x60: {  	_ =	shalt  }
0x61: {  	_ =	shalt  }
0x62: {  	_ =	shalt  }
0x63: {  	_ =	shalt  }
0x64: {  	_ =	shalt  }
0x65: {  	_ =	shalt  }
0x66: {  	_ =	shalt  }
0x67: {  	_ =	shalt  }
0x68: {  	_ =	shalt  }
0x69: {  	_ =	shalt  }
0x6a: {  	_ =	shalt  }
0x6b: {  	_ =	shalt  }
0x6c: {  	_ =	shalt  }
0x6d: {  	_ =	shalt  }
0x6e: {  	_ =	shalt  }
0x6f: {  	_ =	shalt  }
0x70: {  	_ =	shalt  }
0x71: {  	_ =	shalt  }
0x72: {  	_ =	shalt  }
0x73: {  	_ =	shalt  }
0x74: {  	_ =	shalt  }
0x75: {  	_ =	shalt  }
0x76: {  	_ =	shalt  }
0x77: {  	_ =	shalt  }
0x78: {  	_ =	shalt  }
0x79: {  	_ =	shalt  }
0x7a: {  	_ =	shalt  }
0x7b: {  	_ =	shalt  }
0x7c: {  	_ =	shalt  }
0x7d: {  	_ =	shalt  }
0x7e: {  	_ =	shalt  }
0x7f: {  	_ =	shalt  }
0x80: {  	_ =	shalt  }
0x81: {  	_ =	shalt  }
0x82: {  	_ =	shalt  }
0x83: {  	_ =	shalt  }
0x84: {  	_ =	shalt  }
0x85: {  	_ =	shalt  }
0x86: {  	_ =	shalt  }
0x87: {  	_ =	shalt  }
.Lfunc_end0:
.L_simem_size_0:
called_computation_lowered:
.L_overlay_start_0:
0x88: {  	s2 =	sld [smem:$0x3FD9]  }
0x89: {  	s3 =	sld [smem:$0x3FFE];
	_ =	sdelay $0x1  }
0x8a: {  	s1 =	srdreg.scid  }
0x8b: {  	s0 =	sand.u32 $0x1, s1  }
0x8c: {  	s17 =	sshll.u32 s0, $0xA;
	s2 =	sadd.s32 s3, s2  }
0x8d: {  	s2 =	sadd.s32 s2, s17  }
0x8e: {  	[smem:$0x3FBF] =	sst s2  }
0x8f: {  	_ = 	snop  }
0x90: {  	s2 =	sld [smem:$0x3FD0];
	(tm) =	ssettm $0x1  }
0x91: {  	s18 =	sld [smem:$0x3FFB];
	_ =	sdelay $0x3  }
0x92: {  	_ =	strace s18  }
0x93: {  	s3 =	sld [smem:$0x3FFC];
	_ =	sdelay $0x3  }
0x94: {  	_ =	strace s3  }
0x95: {  	s3 =	sld [smem:$0x3FFD];
	_ =	sdelay $0x3  }
0x96: {  	_ =	strace s3  }
0x97: {  	_ =	strace $0x8FFFFFFF  }
0x98: {  	s19 =	sld [smem:$0x3FDB];
	_ =	sdelay $0x1  }
0x99: {  	s4 =	simm.s32 $_scs_section_size  }
0x9a: {  	s5 =	simm.s32 $_size__tile_overlayer_lowered;
	s6 =	simm.s32 $_tile_overlayer_lowered  }
0x9b: {  	s22 =	simm.s32 $0x1BFF;
	s21 =	sshll.u32 s6, $0x1;
	s3 =	sadd.s32 s4, s19  }
0x9c: {  	s7 =	simm.s32 $0x0;
	s20 =	sshll.u32 s5, $0x1;
	s5 =	sadd.s32 s21, s3  }
0x9d: {  	[timem:s7], [sflag:s22] =	dma.local [hbm:s5], s20  }
0x9e: {  	_ =	swait.ge [sflag:s22], s20  }
0x9f: {  	s4 =	ssub.s32 $0x0, s20;
	[sflag:s22] =	ssyncset.done $0x0  }
0xa0: {  	[sflag:s22] =	ssyncadd.s32 s4;
	_ =	sdelay $0x1  }
0xa1: {  	s23 =	simm.s32 $0x1B8B  }
0xa2: {  	_ =	swait.ge [sflag:s23], $0x1  }
0xa3: {  	[sflag:s23] =	ssyncset.done $0x0  }
0xa4: {  	s25 =	simm.s32 $0x1B8E;
	s24 =	sld [smem:$0x3FFE];
	[sflag:s23] =	ssyncadd.s32 $0xFFFFFFFF  }
0xa5: {  	s26 =	simm.s32 $execute0_lowered;
	[smem:$0x3FD2] =	sst s25  }
0xa6: {  	s5 =	sshll.u32 s26, $0x1;
	_ =	strace $0x80000046;
	[dreg:$0x1] =	wrdreg $0xFFFFFFFF  }
0xa7: {  	s28 =	simm.s32 $_size_execute0_lowered;
	s3 =	sadd.s32 s3, s5;
	[dreg:$0x0] =	wrdreg $0x0  }
0xa8: {  	s5 =	sshll.u32 s28, $0x1;
	[dreg:$0x2] =	wrdreg s3  }
0xa9: {  	[dreg:$0x3] =	wrdreg s5  }
0xaa: {  	[dreg:$0x4] =	wrdreg $0xC0  }
0xab: {  	_ =	task [dreg:s7], $0x5FFFF  }
0xac: {  	[dreg:$0x1] =	wrdreg $0xFFFFFFFF  }
0xad: {  	[dreg:$0x0] =	wrdreg $0x60  }
0xae: {  	[dreg:$0x2] =	wrdreg s24  }
0xaf: {  	[dreg:$0x3] =	wrdreg s2  }
0xb0: {  	[dreg:$0x4] =	wrdreg $0xA8000  }
0xb1: {  	[dreg:$0x5] =	wrdreg $0x9  }
0xb2: {  	_ =	task.clear_ibuf [dreg:s7], $0x6FFFF;
	_ =	strace $0x90000046  }
0xb3: {  	s29 =	simm.s32 $0x9;
	_ =	strace $0x80000048  }
0xb4: {  	_ =	swait.ge [sflag:s29], $0x1  }
0xb5: {  	[sflag:s29] =	ssyncadd.s32 $0xFFFFFFFF  }
0xb6: {  	_ =	strace $0x90000048  }
0xb7: {  	_ =	sfence  }
0xb8: {  	s30 =	sld [smem:$0x0];
	_ =	sdelay $0x2  }
0xb9: {  	s31 =	sshll.u32 s1, $0xD;
	s1 =	sshrl.u32 s1, $0x2  }
0xba: {  	s3 =	sand.u32 $0x4000, s31;
	s1 =	sadd.s32 s1, s30  }
0xbb: {  	s0 =	sor.u32 s3, s0;
	s1 =	sshll.u32 s1, $0x11  }
0xbc: {  	s0 =	sor.u32 s1, s0  }
0xbd: {  	s0 =	sadd.s32 $0x8F2B, s0  }
0xbe: {  	[sflag:s0] =	ssyncadd.remote.s32 $0x1  }
0xbf: {  	_ =	sfence.sel $0xFFFF  }
0xc0: {  	[dreg:$0x0] =	wrdreg $0xFFFFFFFF;
	(pc) =	sbr.abs _section_cstart, $3  }
0xc1: {  	[dreg:$0x1] =	wrdreg $0xFFFFFFFF  }
0xc2: {  	_ =	task.clear_ibuf [dreg:s7], $0x2FFFF;
	_ =	strace $0x9FFFFFFF  }
0xc3: {  	(tm) =	ssettm $0x7FFFFFFF  }
tec
execute0_lowered:
.L_overlay_start_1:
0x0: {  	(tag) =	ssettag $0x1  }
0x1: {  	s4 =	rddreg [dreg:$0x0]  }
0x2: {  	s6 =	rddreg [dreg:$0x1]  }
0x3: {  	s1 =	rddreg [dreg:$0x2]  }
0x4: {  	s2 =	simm.s32 $0x0;
	s5 =	srdreg.scid;
	s14 =	stileid.u32  }
0x5: {  	s19 =	simm.s32 $0x2800;
	s20 =	simm.s32 $0x1;
	s21 =	simm.s32 $0x6800  }
0x6: {  	s22 =	simm.s32 $0x2;
	s23 =	simm.s32 $0x2700;
	s24 =	simm.s32 $0x1380  }
0x7: {  	s25 =	simm.s32 $0x2780;
	[smem:$0x7FF] =	sst s2;
	s3 =	sadd.s32 $0x16200, s4  }
0x8: {  	s12 =	sadd.s32 $0x2200, s4;
	s7 =	sand.u32 $0x1, s5;
	s26 =	smul.u32 $0x4E000, s14  }
0x9: {  	s13 =	sadd.s32 $0xC200, s4;
	s9 =	smul.u32 $0x13800, s14;
	s10 =	sadd.s32 $0x434E00, s4  }
0xa: {  	s30 =	sshll.u32 s14, $0x6;
	s16 =	sshll.u32 s14, $0x1;
	s17 =	sadd.s32 $0x138000, s1  }
0xb: {  	p0 =	sne.s32 s14, $0x0;
	_ =	strace $0x80000047;
	s8 =	ssub.s32 $0x2, s7  }
0xc: {  	s31 =	smul.u32 $0x138800, s7;
	s7 =	sshll.u32 s7, $0x5;
	s28 =	sshrl.u32 s8, $0x1  }
0xd: {  	s5 =	sshrl.u32 s26, $0x2;
	s29 =	sshrl.u32 s9, $0x3;
	s7 =	sor.u32 s16, s7  }
0xe: {  	s26 =	simm.s32 $0x0;
	s11 =	ssub.s32 s8, s28;
	s15 =	sadd.s32 s5, s1  }
0xf: {  	s4 =	sadd.s32 s6, s29;
	s5 =	sor.u32 $0x1C03, s30;
	s9 =	sadd.s32 s9, s31  }
0x10: {  	s8 =	sshrl.u32 s31, $0x3;
	s16 =	smul.u32 $0x280, s7;
	s6 =	sadd.s32 $0x27000, s6  }
0x11: {  	s9 =	sshrl.u32 s9, $0x3;
	s8 =	sadd.s32 s10, s8;
	s14 =	sshrl.u32 s15, $0x3  }
0x12: {  	s15 =	simm.s32 $0x3;
	s7 =	sadd.s32 s10, s9;
	s8 =	sadd.s32 $0x27000, s8  }
0x13: {  	s9 =	smax.u32 s11, $0x1;
	s18 =	sadd.s32 $0x280, s16;
	s10 =	sadd.s32 s12, s16  }
0x14: {  	s11 =	sadd.s32 s13, s16;
	s16 =	sshrl.u32 @!p0 s17, $0x3;
	s17 =	simm.s32 $0x1400  }
0x15: {  	s12 =	sadd.s32 s12, s18;
	s13 =	sadd.s32 s13, s18;
	s18 =	simm.s32 $0x7D  }
.LBB2_1:
0x16: {  	[spmem:s14], [sflag:s5] =	dma.local [hbm:s4], $0x2700  }
0x17: {  	_ =	swait.ge [sflag:s15], $0x2700  }
0x18: {  	[sflag:s15] =	ssyncset.done $0x0  }
0x19: {  	s28 =	simm.s32 @!p0 $0x3;
	[sflag:s15] =	ssyncadd.s32 $0xFFFFD900  }
0x1a: {  	[spmem:s16], [sflag:s5] =	dma.local @!p0 [hbm:s6], $0x100  }
0x1b: {  	_ =	swait.ge @!p0 [sflag:s28], $0x100  }
0x1c: {  	[sflag:s28] =	ssyncset.done @!p0 $0x0  }
0x1d: {  	[sflag:s28] =	ssyncadd.s32 @!p0 $0xFFFFFF00  }
0x1e: {  	[bflag:$0x0] =	sbarrier.arrive $0xFFFF  }
0x1f: {  	[tilespmem:s2], [sflag:$0x3] =	stream.linear.gather [hbm4b:s10+s2], $0x1400, $0x38;
	[tilespmem:$0x1E080] =	vst v63  }
0x20: {  	_ =	swait.ge [sflag:s15], $0x1400  }
0x21: {  	[sflag:s15] =	ssyncset.done $0x0  }
0x22: {  	[sflag:s15] =	ssyncadd.s32 $0xFFFFEC00  }
0x23: {  	[tilespmem:s17], [sflag:$0x3] =	stream.linear.gather [hbm4b:s11+s2], $0x1400, $0x38;
	[tilespmem:$0x1E080] =	vst v63  }
0x24: {  	_ =	swait.ge [sflag:s15], $0x1400  }
0x25: {  	[sflag:s15] =	ssyncset.done $0x0  }
0x26: {  	[sflag:s15] =	ssyncadd.s32 $0xFFFFEC00  }
0x27: {  	[tilespmem:s19], [sflag:$0x1] =	stream.indirect.gather [hbm4b:s3+s18], $0x80, s2, s18, $0xb8;
	[tilespmem:$0x1E080] =	vst v63  }
0x28: {  	_ =	swait.ge [sflag:s20], $0x3E80  }
0x29: {  	[sflag:s20] =	ssyncset.done $0x0  }
0x2a: {  	s28 =	simm.s32 $0x1400;
	[sflag:s20] =	ssyncadd.s32 $0xFFFFC180  }
0x2b: {  	[spmem:s1] =	stream.indirect.scatter.add.f32 [tilespmem:s19], [sflag:$0x2], $0x80, s28, s18, $0xb8;
	[tilespmem:$0x1E080] =	vst v63  }
0x2c: {  	s28 =	simm.s32 $0x80  }
0x2d: {  	[tilespmem:s21], [sflag:$0x1] =	stream.indirect.gather [hbm4b:s3+s18], $0x80, s28, s18, $0xb8;
	[tilespmem:$0x1E080] =	vst v63  }
0x2e: {  	_ =	swait.ge [sflag:s20], $0x3E80  }
0x2f: {  	[sflag:s20] =	ssyncset.done $0x0  }
0x30: {  	[sflag:s20] =	ssyncadd.s32 $0xFFFFC180  }
0x31: {  	_ =	swait.ge [sflag:s22], $0x3E80  }
0x32: {  	[sflag:s22] =	ssyncset.done $0x0  }
0x33: {  	s28 =	simm.s32 $0x1480;
	[sflag:s22] =	ssyncadd.s32 $0xFFFFC180  }
0x34: {  	[spmem:s1] =	stream.indirect.scatter.add.f32 [tilespmem:s21], [sflag:$0x2], $0x80, s28, s18, $0xb8;
	[tilespmem:$0x1E080] =	vst v63  }
0x35: {  	s28 =	simm.s32 $0x100  }
0x36: {  	[tilespmem:s19], [sflag:$0x1] =	stream.indirect.gather [hbm4b:s3+s18], $0x80, s28, s18, $0xb8;
	[tilespmem:$0x1E080] =	vst v63  }
0x37: {  	_ =	swait.ge [sflag:s20], $0x3E80  }
0x38: {  	[sflag:s20] =	ssyncset.done $0x0  }
0x39: {  	[sflag:s20] =	ssyncadd.s32 $0xFFFFC180  }
0x3a: {  	_ =	swait.ge [sflag:s22], $0x3E80  }
0x3b: {  	s29 =	simm.s32 $0x800;
	s28 =	simm.s32 $0x100;
	[sflag:s22] =	ssyncset.done $0x0  }
.LBB2_2:
0x3c: {  	s30 =	sadd.s32 $0x1400, s28  }
0x3d: {  	[sflag:s22] =	ssyncadd.s32 $0xFFFFC180;
	s31 =	smov.u32 s29;
	s0 =	sadd.s32 $0x400, s29  }
0x3e: {  	[spmem:s1] =	stream.indirect.scatter.add.f32 [tilespmem:s19], [sflag:$0x2], $0x80, s30, s18, $0xb8;
	[tilespmem:$0x1E080] =	vst v63  }
0x3f: {  	p1 =	sne.s32 s29, $0x4800;
	s29 =	sadd.s32 $0x80, s28  }
0x40: {  	[tilespmem:s21], [sflag:$0x1] =	stream.indirect.gather [hbm4b:s3+s18], $0x80, s29, s18, $0xb8;
	[tilespmem:$0x1E080] =	vst v63  }
0x41: {  	_ =	swait.ge [sflag:s20], $0x3E80  }
0x42: {  	[sflag:s20] =	ssyncset.done $0x0  }
0x43: {  	[sflag:s20] =	ssyncadd.s32 $0xFFFFC180  }
0x44: {  	_ =	swait.ge [sflag:s22], $0x3E80  }
0x45: {  	[sflag:s22] =	ssyncset.done $0x0  }
0x46: {  	s29 =	sadd.s32 $0x1480, s28;
	[sflag:s22] =	ssyncadd.s32 $0xFFFFC180  }
0x47: {  	[spmem:s1] =	stream.indirect.scatter.add.f32 [tilespmem:s21], [sflag:$0x2], $0x80, s29, s18, $0xb8;
	[tilespmem:$0x1E080] =	vst v63  }
0x48: {  	s28 =	sadd.s32 $0x100, s28  }
0x49: {  	[tilespmem:s19], [sflag:$0x1] =	stream.indirect.gather [hbm4b:s3+s18], $0x80, s28, s18, $0xb8;
	[tilespmem:$0x1E080] =	vst v63  }
.Ltmp0:
0x4a: {  	_ =	swait.ge [sflag:s20], $0x3E80;
	(pc) =	sbr.rel @p1 .LBB2_2-.Ltmp0, $4  }
0x4b: {  	[sflag:s20] =	ssyncset.done $0x0  }
0x4c: {  	[sflag:s20] =	ssyncadd.s32 $0xFFFFC180  }
0x4d: {  	_ =	swait.ge [sflag:s22], $0x3E80  }
0x4e: {  	s29 =	smov.u32 s0;
	s28 =	sshra.s32 s31, $0x2;
	[sflag:s22] =	ssyncset.done $0x0  }
0x4f: {  	s0 =	sadd.s32 $0x1400, s28;
	[sflag:s22] =	ssyncadd.s32 $0xFFFFC180  }
0x50: {  	[spmem:s1] =	stream.indirect.scatter.add.f32 [tilespmem:s19], [sflag:$0x2], $0x80, s0, s18, $0xb8;
	[tilespmem:$0x1E080] =	vst v63  }
0x51: {  	s30 =	sadd.s32 $0x80, s28  }
0x52: {  	[tilespmem:s21], [sflag:$0x1] =	stream.indirect.gather [hbm4b:s3+s18], $0x80, s30, s18, $0xb8;
	[tilespmem:$0x1E080] =	vst v63  }
0x53: {  	_ =	swait.ge [sflag:s20], $0x3E80  }
0x54: {  	[sflag:s20] =	ssyncset.done $0x0  }
0x55: {  	[sflag:s20] =	ssyncadd.s32 $0xFFFFC180  }
0x56: {  	_ =	swait.ge [sflag:s22], $0x3E80  }
0x57: {  	[sflag:s22] =	ssyncset.done $0x0  }
0x58: {  	s31 =	sadd.s32 $0x1480, s28;
	[sflag:s22] =	ssyncadd.s32 $0xFFFFC180  }
0x59: {  	[spmem:s1] =	stream.indirect.scatter.add.f32 [tilespmem:s21], [sflag:$0x2], $0x80, s31, s18, $0xb8;
	[tilespmem:$0x1E080] =	vst v63  }
0x5a: {  	s30 =	sadd.s32 $0x100, s28  }
0x5b: {  	[tilespmem:s19], [sflag:$0x1] =	stream.indirect.gather [hbm4b:s3+s18], $0x80, s30, s18, $0xb8;
	[tilespmem:$0x1E080] =	vst v63  }
0x5c: {  	_ =	swait.ge [sflag:s20], $0x3E80  }
0x5d: {  	[sflag:s20] =	ssyncset.done $0x0  }
0x5e: {  	[sflag:s20] =	ssyncadd.s32 $0xFFFFC180  }
0x5f: {  	_ =	swait.ge [sflag:s22], $0x3E80  }
0x60: {  	[sflag:s22] =	ssyncset.done $0x0  }
0x61: {  	[sflag:s22] =	ssyncadd.s32 $0xFFFFC180  }
0x62: {  	[spmem:s1] =	stream.indirect.scatter.add.f32 [tilespmem:s19], [sflag:$0x2], $0x80, s23, s18, $0xb8;
	[tilespmem:$0x1E080] =	vst v63  }
0x63: {  	_ = 	snop  }
0x64: {  	[tilespmem:s21], [sflag:$0x1] =	stream.indirect.gather [hbm4b:s3+s18], $0x80, s24, s18, $0xb8;
	[tilespmem:$0x1E080] =	vst v63  }
0x65: {  	_ =	swait.ge [sflag:s20], $0x3E80  }
0x66: {  	[sflag:s20] =	ssyncset.done $0x0  }
0x67: {  	[sflag:s20] =	ssyncadd.s32 $0xFFFFC180  }
0x68: {  	_ =	swait.ge [sflag:s22], $0x3E80  }
0x69: {  	[sflag:s22] =	ssyncset.done $0x0  }
0x6a: {  	[sflag:s22] =	ssyncadd.s32 $0xFFFFC180  }
0x6b: {  	[spmem:s1] =	stream.indirect.scatter.add.f32 [tilespmem:s21], [sflag:$0x2], $0x80, s25, s18, $0xb8;
	[tilespmem:$0x1E080] =	vst v63  }
0x6c: {  	_ =	swait.ge [sflag:s22], $0x3E80  }
0x6d: {  	[sflag:s22] =	ssyncset.done $0x0  }
0x6e: {  	s31 =	simm.s32 $0x0;
	[sflag:s22] =	ssyncadd.s32 $0xFFFFC180  }
0x6f: {  	[tilespmem:s31], [sflag:$0x3] =	stream.linear.gather [hbm4b:s12+s31], $0x1400, $0x38;
	[tilespmem:$0x1E080] =	vst v63  }
0x70: {  	_ =	swait.ge [sflag:s15], $0x1400  }
0x71: {  	[sflag:s15] =	ssyncset.done $0x0  }
0x72: {  	[sflag:s15] =	ssyncadd.s32 $0xFFFFEC00  }
0x73: {  	[tilespmem:s17], [sflag:$0x3] =	stream.linear.gather [hbm4b:s13+s31], $0x1400, $0x38;
	[tilespmem:$0x1E080] =	vst v63  }
0x74: {  	_ =	swait.ge [sflag:s15], $0x1400  }
0x75: {  	[sflag:s15] =	ssyncset.done $0x0  }
0x76: {  	[sflag:s15] =	ssyncadd.s32 $0xFFFFEC00  }
0x77: {  	[tilespmem:s19], [sflag:$0x1] =	stream.indirect.gather [hbm4b:s3+s18], $0x80, s31, s18, $0xb8;
	[tilespmem:$0x1E080] =	vst v63  }
0x78: {  	_ =	swait.ge [sflag:s20], $0x3E80  }
0x79: {  	[sflag:s20] =	ssyncset.done $0x0  }
0x7a: {  	s30 =	simm.s32 $0x1400;
	[sflag:s20] =	ssyncadd.s32 $0xFFFFC180  }
0x7b: {  	[spmem:s1] =	stream.indirect.scatter.add.f32 [tilespmem:s19], [sflag:$0x2], $0x80, s30, s18, $0xb8;
	[tilespmem:$0x1E080] =	vst v63  }
0x7c: {  	s31 =	simm.s32 $0x80  }
0x7d: {  	[tilespmem:s21], [sflag:$0x1] =	stream.indirect.gather [hbm4b:s3+s18], $0x80, s31, s18, $0xb8;
	[tilespmem:$0x1E080] =	vst v63  }
0x7e: {  	_ =	swait.ge [sflag:s20], $0x3E80  }
0x7f: {  	[sflag:s20] =	ssyncset.done $0x0  }
0x80: {  	[sflag:s20] =	ssyncadd.s32 $0xFFFFC180  }
0x81: {  	_ =	swait.ge [sflag:s22], $0x3E80  }
0x82: {  	[sflag:s22] =	ssyncset.done $0x0  }
0x83: {  	s30 =	simm.s32 $0x1480;
	[sflag:s22] =	ssyncadd.s32 $0xFFFFC180  }
0x84: {  	[spmem:s1] =	stream.indirect.scatter.add.f32 [tilespmem:s21], [sflag:$0x2], $0x80, s30, s18, $0xb8;
	[tilespmem:$0x1E080] =	vst v63  }
0x85: {  	s31 =	simm.s32 $0x100  }
0x86: {  	[tilespmem:s19], [sflag:$0x1] =	stream.indirect.gather [hbm4b:s3+s18], $0x80, s31, s18, $0xb8;
	[tilespmem:$0x1E080] =	vst v63  }
0x87: {  	_ =	swait.ge [sflag:s20], $0x3E80  }
0x88: {  	[sflag:s20] =	ssyncset.done $0x0  }
0x89: {  	[sflag:s20] =	ssyncadd.s32 $0xFFFFC180  }
0x8a: {  	_ =	swait.ge [sflag:s22], $0x3E80  }
0x8b: {  	s29 =	simm.s32 $0x800;
	s28 =	simm.s32 $0x100;
	[sflag:s22] =	ssyncset.done $0x0  }
.LBB2_4:
0x8c: {  	s0 =	sadd.s32 $0x1400, s28  }
0x8d: {  	[sflag:s22] =	ssyncadd.s32 $0xFFFFC180;
	s30 =	smov.u32 s29;
	s31 =	sadd.s32 $0x400, s29  }
0x8e: {  	[spmem:s1] =	stream.indirect.scatter.add.f32 [tilespmem:s19], [sflag:$0x2], $0x80, s0, s18, $0xb8;
	[tilespmem:$0x1E080] =	vst v63  }
0x8f: {  	p1 =	sne.s32 s29, $0x4800;
	s0 =	sadd.s32 $0x80, s28  }
0x90: {  	[tilespmem:s21], [sflag:$0x1] =	stream.indirect.gather [hbm4b:s3+s18], $0x80, s0, s18, $0xb8;
	[tilespmem:$0x1E080] =	vst v63  }
0x91: {  	_ =	swait.ge [sflag:s20], $0x3E80  }
0x92: {  	[sflag:s20] =	ssyncset.done $0x0  }
0x93: {  	[sflag:s20] =	ssyncadd.s32 $0xFFFFC180  }
0x94: {  	_ =	swait.ge [sflag:s22], $0x3E80  }
0x95: {  	[sflag:s22] =	ssyncset.done $0x0  }
0x96: {  	s0 =	sadd.s32 $0x1480, s28;
	[sflag:s22] =	ssyncadd.s32 $0xFFFFC180  }
0x97: {  	[spmem:s1] =	stream.indirect.scatter.add.f32 [tilespmem:s21], [sflag:$0x2], $0x80, s0, s18, $0xb8;
	[tilespmem:$0x1E080] =	vst v63  }
0x98: {  	s0 =	sadd.s32 $0x100, s28  }
0x99: {  	[tilespmem:s19], [sflag:$0x1] =	stream.indirect.gather [hbm4b:s3+s18], $0x80, s0, s18, $0xb8;
	[tilespmem:$0x1E080] =	vst v63  }
.Ltmp1:
0x9a: {  	_ =	swait.ge [sflag:s20], $0x3E80;
	(pc) =	sbr.rel @p1 .LBB2_4-.Ltmp1, $4  }
0x9b: {  	[sflag:s20] =	ssyncset.done $0x0  }
0x9c: {  	[sflag:s20] =	ssyncadd.s32 $0xFFFFC180  }
0x9d: {  	_ =	swait.ge [sflag:s22], $0x3E80  }
0x9e: {  	s29 =	smov.u32 s31;
	s28 =	sshra.s32 s30, $0x2;
	[sflag:s22] =	ssyncset.done $0x0  }
0x9f: {  	s0 =	sadd.s32 $0x1400, s28;
	[sflag:s22] =	ssyncadd.s32 $0xFFFFC180  }
0xa0: {  	[spmem:s1] =	stream.indirect.scatter.add.f32 [tilespmem:s19], [sflag:$0x2], $0x80, s0, s18, $0xb8;
	[tilespmem:$0x1E080] =	vst v63  }
0xa1: {  	s29 =	sadd.s32 $0x80, s28  }
0xa2: {  	[tilespmem:s21], [sflag:$0x1] =	stream.indirect.gather [hbm4b:s3+s18], $0x80, s29, s18, $0xb8;
	[tilespmem:$0x1E080] =	vst v63  }
0xa3: {  	_ =	swait.ge [sflag:s20], $0x3E80  }
0xa4: {  	[sflag:s20] =	ssyncset.done $0x0  }
0xa5: {  	[sflag:s20] =	ssyncadd.s32 $0xFFFFC180  }
0xa6: {  	_ =	swait.ge [sflag:s22], $0x3E80  }
0xa7: {  	[sflag:s22] =	ssyncset.done $0x0  }
0xa8: {  	s30 =	sadd.s32 $0x1480, s28;
	[sflag:s22] =	ssyncadd.s32 $0xFFFFC180  }
0xa9: {  	[spmem:s1] =	stream.indirect.scatter.add.f32 [tilespmem:s21], [sflag:$0x2], $0x80, s30, s18, $0xb8;
	[tilespmem:$0x1E080] =	vst v63  }
0xaa: {  	s31 =	sadd.s32 $0x100, s28  }
0xab: {  	[tilespmem:s19], [sflag:$0x1] =	stream.indirect.gather [hbm4b:s3+s18], $0x80, s31, s18, $0xb8;
	[tilespmem:$0x1E080] =	vst v63  }
0xac: {  	_ =	swait.ge [sflag:s20], $0x3E80  }
0xad: {  	[sflag:s20] =	ssyncset.done $0x0  }
0xae: {  	[sflag:s20] =	ssyncadd.s32 $0xFFFFC180  }
0xaf: {  	_ =	swait.ge [sflag:s22], $0x3E80  }
0xb0: {  	[sflag:s22] =	ssyncset.done $0x0  }
0xb1: {  	[sflag:s22] =	ssyncadd.s32 $0xFFFFC180  }
0xb2: {  	[spmem:s1] =	stream.indirect.scatter.add.f32 [tilespmem:s19], [sflag:$0x2], $0x80, s23, s18, $0xb8;
	[tilespmem:$0x1E080] =	vst v63  }
0xb3: {  	_ = 	snop  }
0xb4: {  	[tilespmem:s21], [sflag:$0x1] =	stream.indirect.gather [hbm4b:s3+s18], $0x80, s24, s18, $0xb8;
	[tilespmem:$0x1E080] =	vst v63  }
0xb5: {  	_ =	swait.ge [sflag:s20], $0x3E80  }
0xb6: {  	[sflag:s20] =	ssyncset.done $0x0  }
0xb7: {  	[sflag:s20] =	ssyncadd.s32 $0xFFFFC180  }
0xb8: {  	_ =	swait.ge [sflag:s22], $0x3E80  }
0xb9: {  	[sflag:s22] =	ssyncset.done $0x0  }
0xba: {  	[sflag:s22] =	ssyncadd.s32 $0xFFFFC180  }
0xbb: {  	[spmem:s1] =	stream.indirect.scatter.add.f32 [tilespmem:s21], [sflag:$0x2], $0x80, s25, s18, $0xb8;
	[tilespmem:$0x1E080] =	vst v63  }
0xbc: {  	_ =	swait.ge [sflag:s22], $0x3E80  }
0xbd: {  	[sflag:s22] =	ssyncset.done $0x0  }
0xbe: {  	[sflag:s22] =	ssyncadd.s32 $0xFFFFC180  }
0xbf: {  	[bflag:$0x0] =	sbarrier.arrive $0xFFFF  }
0xc0: {  	[hbm:s7], [sflag:s5] =	dma.local [spmem:s14], $0x2700  }
0xc1: {  	s26 =	sadd.s32 $0x1, s26;
	_ =	swait.ge [sflag:s15], $0x2700  }
0xc2: {  	p1 =	sne.s32 s26, s9;
	[sflag:s15] =	ssyncset.done $0x0  }
.Ltmp2:
0xc3: {  	s0 =	simm.s32 @!p0 $0x3;
	[sflag:s15] =	ssyncadd.s32 $0xFFFFD900;
	(pc) =	sbr.rel @p1 .LBB2_1-.Ltmp2, $4  }
0xc4: {  	[hbm:s8], [sflag:s5] =	dma.local @!p0 [spmem:s16], $0x100  }
0xc5: {  	_ =	swait.ge @!p0 [sflag:s0], $0x100  }
0xc6: {  	[sflag:s0] =	ssyncset.done @!p0 $0x0  }
0xc7: {  	[sflag:s0] =	ssyncadd.s32 @!p0 $0xFFFFFF00  }
0xc8: {  	_ =	sfence.sel $0x180000  }
0xc9: {  	[bflag:$0x0] =	sbarrier.arrive $0xFFFF  }
0xca: {  	_ =	strace $0x90000047  }
0xcb: {  	[bflag:$0x2] =	sbarrier.arrive $0xFFFF  }
0xcc: {  	s0 =	rddreg [dreg:$0x3]  }
0xcd: {  	s0 =	sadd.s32 @!p0 $0x100000, s0  }
0xce: {  	[sflag:s0] =	ssyncadd.tile.s32 @!p0 $0x1;
	_ =	shalt  }
.Lfunc_end2:
_tile_overlayer_lowered:
.L_overlay_start_2:
0xcf: {  	(tag) =	ssettag $0x2  }
0xd0: {  	s0 =	rddreg [dreg:$0x0];
	s2 =	stileid.u32  }
0xd1: {  	s1 =	rddreg [dreg:$0x1];
	p0 =	sne.s32 s2, $0x0  }
0xd2: {  	s3 =	rddreg [dreg:$0x2];
	[bflag:$0x3] =	sbarrier.arrive $0xFFFF;
	s2 =	simm.s32 @!p0 $0x1C03  }
0xd3: {  	[timem:s3], [sflag:s2] =	dma.local @!p0 [hbm:s0], s1  }
0xd4: {  	s0 =	simm.s32 @!p0 $0x3  }
0xd5: {  	_ =	swait.ge @!p0 [sflag:s0], s1  }
0xd6: {  	s1 =	ssub.s32 @!p0 $0x0, s1;
	[sflag:s0] =	ssyncset.done @!p0 $0x0  }
0xd7: {  	[sflag:s0] =	ssyncadd.s32 @!p0 s1  }
0xd8: {  	[bflag:$0x3] =	sbarrier.arrive $0xFFFF  }
0xd9: {  	_ =	shalt  }

</sc_bundles>
